<compile_context>
chip_gen: v7x
topology: tpu7x:2x2x1
jax: 0.10.2.dev20260603
libtpu: 0.0.44.dev20260713+nightly
codegen_flags: <defaults>
</compile_context>

<pallas_src>
import functools

import jax
import jax.numpy as jnp
import numpy as np
from jax import lax
from jax.experimental import pallas as pl
from jax.experimental.pallas import tpu as pltpu
from jax.experimental.pallas import tpu_sc as plsc

_NUM_CATEGORIES = [100000] * 26
_F = len(_NUM_CATEGORIES)
_D = 32
_B = 16384
_BF = _B * _F
_NROW = sum(_NUM_CATEGORIES)

_info = plsc.get_sparse_core_info()
_NC, _NS = _info.num_cores, _info.num_subcores
_NW = _NC * _NS

_ALIGNED_ROWS = (_NROW // 128) * 128
_BW = 896
_NT = 92
_LASTCOL = _ALIGNED_ROWS - _BW
_TAIL = _NROW - _ALIGNED_ROWS

_RPW = _BF // _NW
_PR = 128
_NP = _RPW // _PR

_offsets_np = np.cumsum([0] + _NUM_CATEGORIES[:-1]).astype(np.int32)
_OFF2 = np.concatenate([_offsets_np, _offsets_np])
_BIAS_PAT = _F * _D


def _detile_body(tab_hbm, tail_hbm, out_hbm,
                 blk0, blk1, dst0, dst1, tail_v,
                 sin0, sin1, sout0, sout1):
    wid = lax.axis_index("s") * _NC + lax.axis_index("c")
    blk = [blk0, blk1]
    dst = [dst0, dst1]
    sin = [sin0, sin1]
    sout = [sout0, sout1]
    lanes = lax.iota(jnp.int32, 16)

    def colof(t):
        return jnp.minimum((wid + t * _NW) * _BW, _LASTCOL)

    def start_in(t, par):
        pltpu.async_copy(tab_hbm.at[:, pl.ds(colof(t), _BW)], blk[par], sin[par])

    def wait_in(t, par):
        pltpu.make_async_copy(
            tab_hbm.at[:, pl.ds(colof(t), _BW)], blk[par], sin[par]).wait()

    def start_out(t, par):
        pltpu.async_copy(
            dst[par], out_hbm.at[pl.ds(colof(t) * _D, _BW * _D)], sout[par])

    def wait_out(t, par):
        pltpu.make_async_copy(
            dst[par], out_hbm.at[pl.ds(colof(t) * _D, _BW * _D)], sout[par]).wait()

    start_in(0, 0)
    start_in(1, 1)

    def pair(p, carry):
        for par in (0, 1):
            t = p * 2 + par
            wait_in(t, par)

            @pl.when(t >= 2)
            def _():
                wait_out(t - 2, par)

            def rblock(rb, _):
                rvec = rb * 16 + lanes
                rvec32 = rvec * _D

                @plsc.parallel_loop(0, _D, unroll=8)
                def _diag(s):
                    cvec = (lanes + s) & (_D - 1)
                    v = plsc.load_gather(blk[par], [cvec, rvec])
                    plsc.store_scatter(dst[par], [rvec32 + cvec], v)

                return 0

            lax.fori_loop(0, _BW // 16, rblock, 0)

            start_out(t, par)

            @pl.when(t + 2 < _NT)
            def _():
                start_in(t + 2, par)
        return carry

    lax.fori_loop(0, _NT // 2, pair, jnp.int32(0))
    wait_out(_NT - 2, 0)
    wait_out(_NT - 1, 1)

    @pl.when(wid == 0)
    def _():
        pltpu.sync_copy(tail_hbm, tail_v)
        pltpu.sync_copy(tail_v, out_hbm.at[pl.ds(_ALIGNED_ROWS * _D, _TAIL * _D)])


def _gather_body(x_hbm, off2_hbm, bias_hbm, table_hbm, out_hbm,
                 idx_all, rows0, rows1, off2_v, bias2_v,
                 sg0, sg1, so0, so1):
    wid = lax.axis_index("s") * _NC + lax.axis_index("c")
    rows = [rows0, rows1]
    sg = [sg0, sg1]
    so = [so0, so1]

    pltpu.sync_copy(off2_hbm, off2_v)
    pltpu.sync_copy(bias_hbm, bias2_v.at[pl.ds(0, _BIAS_PAT)])
    pltpu.sync_copy(bias_hbm, bias2_v.at[pl.ds(_BIAS_PAT, _BIAS_PAT)])

    row0 = wid * _NP
    pltpu.sync_copy(x_hbm.at[pl.ds(row0, _NP), :], idx_all)

    def off_row(r, q):
        for c in range(_PR // 16):
            chunk = idx_all[r, pl.ds(c * 16, 16)]
            idx_all[r, pl.ds(c * 16, 16)] = chunk + off2_v[pl.ds(q, 16)]
            q = q + 16
            q = jnp.where(q >= _F, q - _F, q)
        return q

    lax.fori_loop(0, _NP, off_row, jnp.int32(0))

    base = wid * _RPW

    def start_g(i, par):
        pltpu.async_copy(table_hbm.at[idx_all.at[i]], rows[par], sg[par])

    def wait_g(i, par):
        pltpu.make_async_copy(
            table_hbm.at[idx_all.at[i]], rows[par], sg[par]).wait()

    def start_o(i, par):
        pltpu.async_copy(
            rows[par], out_hbm.at[pl.ds(base + i * _PR, _PR), :], so[par])

    def wait_o(i, par):
        pltpu.make_async_copy(
            rows[par], out_hbm.at[pl.ds(base + i * _PR, _PR), :], so[par]).wait()

    start_g(0, 0)
    start_g(1, 1)

    def pair(p, carry):
        for par in (0, 1):
            i = p * 2 + par
            wait_g(i, par)

            @pl.when(i >= 2)
            def _():
                wait_o(i - 2, par)

            qb0 = lax.rem(i * _PR, _F) * _D

            def bias_row(r, qb):
                rows[par][r, pl.ds(0, 16)] = (
                    rows[par][r, pl.ds(0, 16)] + bias2_v[pl.ds(qb, 16)])
                rows[par][r, pl.ds(16, 16)] = (
                    rows[par][r, pl.ds(16, 16)] + bias2_v[pl.ds(qb + 16, 16)])
                qb = qb + _D
                return jnp.where(qb >= _BIAS_PAT, qb - _BIAS_PAT, qb)

            lax.fori_loop(0, _PR, bias_row, qb0)

            start_o(i, par)

            @pl.when(i + 2 < _NP)
            def _():
                start_g(i + 2, par)
        return carry

    lax.fori_loop(0, _NP // 2, pair, jnp.int32(0))
    wait_o(_NP - 2, 0)
    wait_o(_NP - 1, 1)


@jax.jit
def _tokenize(x2d, off2, bias_flat, table_t, tail_flat):
    mesh = plsc.VectorSubcoreMesh(core_axis_name="c", subcore_axis_name="s")

    detile = functools.partial(
        pl.kernel,
        mesh=mesh,
        out_type=jax.ShapeDtypeStruct((_NROW * _D,), jnp.float32),
        scratch_types=[
            pltpu.VMEM((_D, _BW), jnp.float32),
            pltpu.VMEM((_D, _BW), jnp.float32),
            pltpu.VMEM((_BW * _D,), jnp.float32),
            pltpu.VMEM((_BW * _D,), jnp.float32),
            pltpu.VMEM((_TAIL * _D,), jnp.float32),
            pltpu.SemaphoreType.DMA,
            pltpu.SemaphoreType.DMA,
            pltpu.SemaphoreType.DMA,
            pltpu.SemaphoreType.DMA,
        ],
        compiler_params=pltpu.CompilerParams(needs_layout_passes=False),
    )(_detile_body)
    table_rm = detile(table_t, tail_flat).reshape(_NROW, _D)

    gather = functools.partial(
        pl.kernel,
        mesh=mesh,
        out_type=jax.ShapeDtypeStruct((_BF, _D), jnp.float32),
        scratch_types=[
            pltpu.VMEM((_NP, _PR), jnp.int32),
            pltpu.VMEM((_PR, _D), jnp.float32),
            pltpu.VMEM((_PR, _D), jnp.float32),
            pltpu.VMEM((2 * _F,), jnp.int32),
            pltpu.VMEM((2 * _BIAS_PAT,), jnp.float32),
            pltpu.SemaphoreType.DMA,
            pltpu.SemaphoreType.DMA,
            pltpu.SemaphoreType.DMA,
            pltpu.SemaphoreType.DMA,
        ],
        compiler_params=pltpu.CompilerParams(use_tc_tiling_on_sc=False),
    )(_gather_body)
    return gather(x2d, off2, bias_flat, table_rm)


def kernel(x, table, bias):
    x2d = x.reshape(_BF // _PR, _PR)
    tail_flat = lax.slice(table, (_ALIGNED_ROWS, 0), (_NROW, _D)).reshape(-1)
    out = _tokenize(x2d, jnp.asarray(_OFF2), bias.reshape(-1), table.T, tail_flat)
    return out.reshape(_B, _F, _D)

# --- scband reference (transcript-rebuilt; emitter-appended) ---
"""Pipeline reference for scband-categorical-feature-tokenizer-5660766896886 (READ-ONLY COPY).

The authoritative reference and input builder live on the scoring server;
editing this copy changes nothing except your own understanding.
"""

import jax, jax.numpy as jnp
import numpy as np

NUM_CATEGORIES = [100000] * 26
D_TOKEN = 32
BATCH = 16384


def setup_inputs(seed: int = 0) -> dict:
    key = jax.random.key(seed)
    k1, k2, k3 = jax.random.split(key, 3)
    x = jax.random.randint(k1, (BATCH, len(NUM_CATEGORIES)), 0, NUM_CATEGORIES[0])
    s = D_TOKEN ** -0.5
    table = jax.random.normal(k2, (sum(NUM_CATEGORIES), D_TOKEN), dtype=jnp.float32) * s
    bias = jax.random.normal(k3, (len(NUM_CATEGORIES), D_TOKEN), dtype=jnp.float32) * s
    return {"x": x, "table": table, "bias": bias}


def reference(x, table, bias):
    # category_offsets = cumsum([0] + num_categories[:-1])
    offsets = jnp.cumsum(jnp.array([0] + NUM_CATEGORIES[:-1], dtype=x.dtype))
    shifted = x + offsets[None]
    tok = jnp.take(table, shifted, axis=0)  # [B, F, d_token]
    tok = tok + bias[None]
    return tok

if __name__ == "__main__":
    import jax
    _d = setup_inputs()
    print(jax.jit(kernel)(*tuple(_d.values())))

</pallas_src>

<mosaic_0001>
#map = affine_map<(d0, d1) -> (0, 0)>
#map1 = affine_map<(d0, d1) -> (0)>
module attributes {stable_mosaic.version = 14 : i64} {
  func.func @_detile_body(%arg0: i32, %arg1: i32, %arg2: memref<32x2600000xf32, #tpu.memory_space<hbm>>, %arg3: memref<2048xf32, #tpu.memory_space<hbm>>, %arg4: memref<83200000xf32, #tpu.memory_space<hbm>>, %arg5: memref<32x896xf32, #tpu.memory_space<vmem>>, %arg6: memref<32x896xf32, #tpu.memory_space<vmem>>, %arg7: memref<28672xf32, #tpu.memory_space<vmem>>, %arg8: memref<28672xf32, #tpu.memory_space<vmem>>, %arg9: memref<2048xf32, #tpu.memory_space<vmem>>, %arg10: memref<!tpu.dma_semaphore, #tpu.memory_space<semaphore_mem>>, %arg11: memref<!tpu.dma_semaphore, #tpu.memory_space<semaphore_mem>>, %arg12: memref<!tpu.dma_semaphore, #tpu.memory_space<semaphore_mem>>, %arg13: memref<!tpu.dma_semaphore, #tpu.memory_space<semaphore_mem>>) attributes {dimension_semantics = [#tpu.dimension_semantics<core_parallel>, #tpu.dimension_semantics<subcore_parallel>], iteration_bounds = array<i64: 2, 16>, scalar_prefetch = 0 : i64, scratch_operands = 9 : i64, tpu.core_type = #tpu.core_type<sc_vector_subcore>, window_params = [{transform_indices = #map}, {transform_indices = #map1}, {transform_indices = #map1}]} {
    %mul3A = arith.constant 2 : i32
    %mul3A_0 = arith.muli %arg1, %mul3A : i32
    %add3A = arith.addi %mul3A_0, %arg0 : i32
    %iota3A = tpu.iota {dimensions = array<i32: 0>} : vector<16xi32>
    %add3A_1 = arith.constant 0 : i32
    %add3A_2 = arith.addi %add3A, %add3A_1 : i32
    %mul3A_3 = arith.constant 896 : i32
    %mul3A_4 = arith.muli %add3A_2, %mul3A_3 : i32
    %min3A = arith.constant 2599040 : i32
    %min3A_5 = arith.minsi %mul3A_4, %min3A : i32
    %dma_start3A = arith.constant 0 : i32
    %dma_start3A_6 = tpu.memref_slice %arg2[%dma_start3A, %min3A_5] : memref<32x2600000xf32, #tpu.memory_space<hbm>> -> memref<32x896xf32, #tpu.memory_space<hbm>>
    %dma_start3A_7 = arith.constant 0 : i32
    %dma_start3A_8 = tpu.memref_slice %arg2[%dma_start3A_7, %min3A_5] : memref<32x2600000xf32, #tpu.memory_space<hbm>> -> memref<32x896xf32, #tpu.memory_space<hbm>>
    tpu.enqueue_dma source(%dma_start3A_8 : memref<32x896xf32, #tpu.memory_space<hbm>>) target(%arg5 : memref<32x896xf32, #tpu.memory_space<vmem>>) target_semaphore(%arg10 : memref<!tpu.dma_semaphore, #tpu.memory_space<semaphore_mem>>)
    %add3A_9 = arith.constant 32 : i32
    %add3A_10 = arith.addi %add3A, %add3A_9 : i32
    %mul3A_11 = arith.constant 896 : i32
    %mul3A_12 = arith.muli %add3A_10, %mul3A_11 : i32
    %min3A_13 = arith.constant 2599040 : i32
    %min3A_14 = arith.minsi %mul3A_12, %min3A_13 : i32
    %dma_start3A_15 = arith.constant 0 : i32
    %dma_start3A_16 = tpu.memref_slice %arg2[%dma_start3A_15, %min3A_14] : memref<32x2600000xf32, #tpu.memory_space<hbm>> -> memref<32x896xf32, #tpu.memory_space<hbm>>
    %dma_start3A_17 = arith.constant 0 : i32
    %dma_start3A_18 = tpu.memref_slice %arg2[%dma_start3A_17, %min3A_14] : memref<32x2600000xf32, #tpu.memory_space<hbm>> -> memref<32x896xf32, #tpu.memory_space<hbm>>
    tpu.enqueue_dma source(%dma_start3A_18 : memref<32x896xf32, #tpu.memory_space<hbm>>) target(%arg6 : memref<32x896xf32, #tpu.memory_space<vmem>>) target_semaphore(%arg11 : memref<!tpu.dma_semaphore, #tpu.memory_space<semaphore_mem>>)
    %scan3A = arith.constant 0 : i32
    %scan3A_19 = arith.constant 0 : i32
    %scan3A_20 = arith.constant 46 : i32
    %scan3A_21 = arith.addi %scan3A_19, %scan3A_20 : i32
    %scan3A_22 = arith.constant 1 : i32
    scf.for %scan3A_45 = %scan3A_19 to %scan3A_21 step %scan3A_22  : i32 {
      %mul3A_46 = arith.constant 2 : i32
      %mul3A_47 = arith.muli %scan3A_45, %mul3A_46 : i32
      %add3A_48 = arith.constant 0 : i32
      %add3A_49 = arith.addi %mul3A_47, %add3A_48 : i32
      %mul3A_50 = arith.constant 32 : i32
      %mul3A_51 = arith.muli %add3A_49, %mul3A_50 : i32
      %add3A_52 = arith.addi %add3A, %mul3A_51 : i32
      %mul3A_53 = arith.constant 896 : i32
      %mul3A_54 = arith.muli %add3A_52, %mul3A_53 : i32
      %min3A_55 = arith.constant 2599040 : i32
      %min3A_56 = arith.minsi %mul3A_54, %min3A_55 : i32
      %dma_wait3A_57 = arith.constant 0 : i32
      %dma_wait3A_58 = tpu.memref_slice %arg2[%dma_wait3A_57, %min3A_56] : memref<32x2600000xf32, #tpu.memory_space<hbm>> -> memref<32x896xf32, #tpu.memory_space<hbm>>
      %dma_wait3A_59 = arith.constant 0 : i32
      %dma_wait3A_60 = tpu.memref_slice %arg2[%dma_wait3A_59, %min3A_56] : memref<32x2600000xf32, #tpu.memory_space<hbm>> -> memref<32x896xf32, #tpu.memory_space<hbm>>
      tpu.wait_dma2 semaphore(%arg10 : memref<!tpu.dma_semaphore, #tpu.memory_space<semaphore_mem>>) src(%dma_wait3A_60 : memref<32x896xf32, #tpu.memory_space<hbm>>) dst(%arg5 : memref<32x896xf32, #tpu.memory_space<vmem>>)
      %ge3A = arith.constant 2 : i32
      %ge3A_61 = arith.cmpi sge, %add3A_49, %ge3A : i32
      %convert_element_type3A_62 = arith.extui %ge3A_61 : i1 to i32
      %cond3A_63 = arith.constant 0 : i32
      %cond3A_64 = arith.cmpi ne, %convert_element_type3A_62, %cond3A_63 : i32
      scf.if %cond3A_64 {
        %sub3A = arith.constant 2 : i32
        %sub3A_134 = arith.subi %add3A_49, %sub3A : i32
        %mul3A_135 = arith.constant 32 : i32
        %mul3A_136 = arith.muli %sub3A_134, %mul3A_135 : i32
        %add3A_137 = arith.addi %add3A, %mul3A_136 : i32
        %mul3A_138 = arith.constant 896 : i32
        %mul3A_139 = arith.muli %add3A_137, %mul3A_138 : i32
        %min3A_140 = arith.constant 2599040 : i32
        %min3A_141 = arith.minsi %mul3A_139, %min3A_140 : i32
        %mul3A_142 = arith.constant 32 : i32
        %mul3A_143 = arith.muli %min3A_141, %mul3A_142 : i32
        %dma_wait3A_144 = tpu.memref_slice %arg4[%mul3A_143] : memref<83200000xf32, #tpu.memory_space<hbm>> -> memref<28672xf32, #tpu.memory_space<hbm>>
        %dma_wait3A_145 = tpu.memref_slice %arg4[%mul3A_143] : memref<83200000xf32, #tpu.memory_space<hbm>> -> memref<28672xf32, #tpu.memory_space<hbm>>
        tpu.wait_dma2 semaphore(%arg12 : memref<!tpu.dma_semaphore, #tpu.memory_space<semaphore_mem>>) src(%arg7 : memref<28672xf32, #tpu.memory_space<vmem>>) dst(%dma_wait3A_145 : memref<28672xf32, #tpu.memory_space<hbm>>)
      } else {
      }
      %scan3A_65 = arith.constant 0 : i32
      %scan3A_66 = arith.constant 0 : i32
      %scan3A_67 = arith.constant 56 : i32
      %scan3A_68 = arith.addi %scan3A_66, %scan3A_67 : i32
      %scan3A_69 = arith.constant 1 : i32
      %scan3A_70 = scf.for %scan3A_134 = %scan3A_66 to %scan3A_68 step %scan3A_69 iter_args(%scan3A_135 = %scan3A_65) -> (i32)  : i32 {
        %mul3A_136 = arith.constant 16 : i32
        %mul3A_137 = arith.muli %scan3A_134, %mul3A_136 : i32
        %add3A_138 = vector.broadcast %mul3A_137 : i32 to vector<16xi32>
        %add3A_139 = arith.addi %add3A_138, %iota3A : vector<16xi32>
        %mul3A_140 = arith.constant 32 : i32
        %mul3A_141 = vector.broadcast %mul3A_140 : i32 to vector<16xi32>
        %mul3A_142 = arith.muli %add3A_139, %mul3A_141 : vector<16xi32>
        %parallel_loop3A = arith.constant 0 : i32
        %parallel_loop3A_143 = arith.constant 32 : i32
        %parallel_loop3A_144 = arith.constant 1 : i32
        scf.for %parallel_loop3A_146 = %parallel_loop3A to %parallel_loop3A_143 step %parallel_loop3A_144  : i32 {
          %parallel_loop3A_147 = vector.broadcast %parallel_loop3A_146 : i32 to vector<16xi32>
          %parallel_loop3A_148 = arith.addi %iota3A, %parallel_loop3A_147 : vector<16xi32>
          %parallel_loop3A_149 = arith.constant 31 : i32
          %parallel_loop3A_150 = vector.broadcast %parallel_loop3A_149 : i32 to vector<16xi32>
          %parallel_loop3A_151 = arith.andi %parallel_loop3A_148, %parallel_loop3A_150 : vector<16xi32>
          %parallel_loop3A_152 = tpu.vector_load_idx %arg5[%parallel_loop3A_151, %add3A_139] : memref<32x896xf32, #tpu.memory_space<vmem>>[vector<16xi32>, vector<16xi32>], vector<16xf32>,
          %parallel_loop3A_153 = arith.addi %mul3A_142, %parallel_loop3A_151 : vector<16xi32>
          tpu.vector_store_idx %arg7[%parallel_loop3A_153], %parallel_loop3A_152 : memref<28672xf32, #tpu.memory_space<vmem>>[vector<16xi32>], vector<16xf32>,
        } {sc.loop_unroll_factor = 8 : i64, sc.parallel_access}
        %scan3A_145 = arith.constant 0 : i32
        scf.yield %scan3A_145 : i32
      }
      %scan3A_71 = arith.constant 56 : i32
      %mul3A_72 = arith.constant 32 : i32
      %mul3A_73 = arith.muli %add3A_49, %mul3A_72 : i32
      %add3A_74 = arith.addi %add3A, %mul3A_73 : i32
      %mul3A_75 = arith.constant 896 : i32
      %mul3A_76 = arith.muli %add3A_74, %mul3A_75 : i32
      %min3A_77 = arith.constant 2599040 : i32
      %min3A_78 = arith.minsi %mul3A_76, %min3A_77 : i32
      %mul3A_79 = arith.constant 32 : i32
      %mul3A_80 = arith.muli %min3A_78, %mul3A_79 : i32
      %dma_start3A_81 = tpu.memref_slice %arg4[%mul3A_80] : memref<83200000xf32, #tpu.memory_space<hbm>> -> memref<28672xf32, #tpu.memory_space<hbm>>
      %dma_start3A_82 = tpu.memref_slice %arg4[%mul3A_80] : memref<83200000xf32, #tpu.memory_space<hbm>> -> memref<28672xf32, #tpu.memory_space<hbm>>
      tpu.enqueue_dma source(%arg7 : memref<28672xf32, #tpu.memory_space<vmem>>) target(%dma_start3A_82 : memref<28672xf32, #tpu.memory_space<hbm>>) target_semaphore(%arg12 : memref<!tpu.dma_semaphore, #tpu.memory_space<semaphore_mem>>)
      %add3A_83 = arith.constant 2 : i32
      %add3A_84 = arith.addi %add3A_49, %add3A_83 : i32
      %lt3A = arith.constant 92 : i32
      %lt3A_85 = arith.cmpi slt, %add3A_84, %lt3A : i32
      %convert_element_type3A_86 = arith.extui %lt3A_85 : i1 to i32
      %cond3A_87 = arith.constant 0 : i32
      %cond3A_88 = arith.cmpi ne, %convert_element_type3A_86, %cond3A_87 : i32
      scf.if %cond3A_88 {
        %add3A_134 = arith.constant 2 : i32
        %add3A_135 = arith.addi %add3A_49, %add3A_134 : i32
        %mul3A_136 = arith.constant 32 : i32
        %mul3A_137 = arith.muli %add3A_135, %mul3A_136 : i32
        %add3A_138 = arith.addi %add3A, %mul3A_137 : i32
        %mul3A_139 = arith.constant 896 : i32
        %mul3A_140 = arith.muli %add3A_138, %mul3A_139 : i32
        %min3A_141 = arith.constant 2599040 : i32
        %min3A_142 = arith.minsi %mul3A_140, %min3A_141 : i32
        %dma_start3A_143 = arith.constant 0 : i32
        %dma_start3A_144 = tpu.memref_slice %arg2[%dma_start3A_143, %min3A_142] : memref<32x2600000xf32, #tpu.memory_space<hbm>> -> memref<32x896xf32, #tpu.memory_space<hbm>>
        %dma_start3A_145 = arith.constant 0 : i32
        %dma_start3A_146 = tpu.memref_slice %arg2[%dma_start3A_145, %min3A_142] : memref<32x2600000xf32, #tpu.memory_space<hbm>> -> memref<32x896xf32, #tpu.memory_space<hbm>>
        tpu.enqueue_dma source(%dma_start3A_146 : memref<32x896xf32, #tpu.memory_space<hbm>>) target(%arg5 : memref<32x896xf32, #tpu.memory_space<vmem>>) target_semaphore(%arg10 : memref<!tpu.dma_semaphore, #tpu.memory_space<semaphore_mem>>)
      } else {
      }
      %mul3A_89 = arith.constant 2 : i32
      %mul3A_90 = arith.muli %scan3A_45, %mul3A_89 : i32
      %add3A_91 = arith.constant 1 : i32
      %add3A_92 = arith.addi %mul3A_90, %add3A_91 : i32
      %mul3A_93 = arith.constant 32 : i32
      %mul3A_94 = arith.muli %add3A_92, %mul3A_93 : i32
      %add3A_95 = arith.addi %add3A, %mul3A_94 : i32
      %mul3A_96 = arith.constant 896 : i32
      %mul3A_97 = arith.muli %add3A_95, %mul3A_96 : i32
      %min3A_98 = arith.constant 2599040 : i32
      %min3A_99 = arith.minsi %mul3A_97, %min3A_98 : i32
      %dma_wait3A_100 = arith.constant 0 : i32
      %dma_wait3A_101 = tpu.memref_slice %arg2[%dma_wait3A_100, %min3A_99] : memref<32x2600000xf32, #tpu.memory_space<hbm>> -> memref<32x896xf32, #tpu.memory_space<hbm>>
      %dma_wait3A_102 = arith.constant 0 : i32
      %dma_wait3A_103 = tpu.memref_slice %arg2[%dma_wait3A_102, %min3A_99] : memref<32x2600000xf32, #tpu.memory_space<hbm>> -> memref<32x896xf32, #tpu.memory_space<hbm>>
      tpu.wait_dma2 semaphore(%arg11 : memref<!tpu.dma_semaphore, #tpu.memory_space<semaphore_mem>>) src(%dma_wait3A_103 : memref<32x896xf32, #tpu.memory_space<hbm>>) dst(%arg6 : memref<32x896xf32, #tpu.memory_space<vmem>>)
      %ge3A_104 = arith.constant 2 : i32
      %ge3A_105 = arith.cmpi sge, %add3A_92, %ge3A_104 : i32
      %convert_element_type3A_106 = arith.extui %ge3A_105 : i1 to i32
      %cond3A_107 = arith.constant 0 : i32
      %cond3A_108 = arith.cmpi ne, %convert_element_type3A_106, %cond3A_107 : i32
      scf.if %cond3A_108 {
        %sub3A = arith.constant 2 : i32
        %sub3A_134 = arith.subi %add3A_92, %sub3A : i32
        %mul3A_135 = arith.constant 32 : i32
        %mul3A_136 = arith.muli %sub3A_134, %mul3A_135 : i32
        %add3A_137 = arith.addi %add3A, %mul3A_136 : i32
        %mul3A_138 = arith.constant 896 : i32
        %mul3A_139 = arith.muli %add3A_137, %mul3A_138 : i32
        %min3A_140 = arith.constant 2599040 : i32
        %min3A_141 = arith.minsi %mul3A_139, %min3A_140 : i32
        %mul3A_142 = arith.constant 32 : i32
        %mul3A_143 = arith.muli %min3A_141, %mul3A_142 : i32
        %dma_wait3A_144 = tpu.memref_slice %arg4[%mul3A_143] : memref<83200000xf32, #tpu.memory_space<hbm>> -> memref<28672xf32, #tpu.memory_space<hbm>>
        %dma_wait3A_145 = tpu.memref_slice %arg4[%mul3A_143] : memref<83200000xf32, #tpu.memory_space<hbm>> -> memref<28672xf32, #tpu.memory_space<hbm>>
        tpu.wait_dma2 semaphore(%arg13 : memref<!tpu.dma_semaphore, #tpu.memory_space<semaphore_mem>>) src(%arg8 : memref<28672xf32, #tpu.memory_space<vmem>>) dst(%dma_wait3A_145 : memref<28672xf32, #tpu.memory_space<hbm>>)
      } else {
      }
      %scan3A_109 = arith.constant 0 : i32
      %scan3A_110 = arith.constant 0 : i32
      %scan3A_111 = arith.constant 56 : i32
      %scan3A_112 = arith.addi %scan3A_110, %scan3A_111 : i32
      %scan3A_113 = arith.constant 1 : i32
      %scan3A_114 = scf.for %scan3A_134 = %scan3A_110 to %scan3A_112 step %scan3A_113 iter_args(%scan3A_135 = %scan3A_109) -> (i32)  : i32 {
        %mul3A_136 = arith.constant 16 : i32
        %mul3A_137 = arith.muli %scan3A_134, %mul3A_136 : i32
        %add3A_138 = vector.broadcast %mul3A_137 : i32 to vector<16xi32>
        %add3A_139 = arith.addi %add3A_138, %iota3A : vector<16xi32>
        %mul3A_140 = arith.constant 32 : i32
        %mul3A_141 = vector.broadcast %mul3A_140 : i32 to vector<16xi32>
        %mul3A_142 = arith.muli %add3A_139, %mul3A_141 : vector<16xi32>
        %parallel_loop3A = arith.constant 0 : i32
        %parallel_loop3A_143 = arith.constant 32 : i32
        %parallel_loop3A_144 = arith.constant 1 : i32
        scf.for %parallel_loop3A_146 = %parallel_loop3A to %parallel_loop3A_143 step %parallel_loop3A_144  : i32 {
          %parallel_loop3A_147 = vector.broadcast %parallel_loop3A_146 : i32 to vector<16xi32>
          %parallel_loop3A_148 = arith.addi %iota3A, %parallel_loop3A_147 : vector<16xi32>
          %parallel_loop3A_149 = arith.constant 31 : i32
          %parallel_loop3A_150 = vector.broadcast %parallel_loop3A_149 : i32 to vector<16xi32>
          %parallel_loop3A_151 = arith.andi %parallel_loop3A_148, %parallel_loop3A_150 : vector<16xi32>
          %parallel_loop3A_152 = tpu.vector_load_idx %arg6[%parallel_loop3A_151, %add3A_139] : memref<32x896xf32, #tpu.memory_space<vmem>>[vector<16xi32>, vector<16xi32>], vector<16xf32>,
          %parallel_loop3A_153 = arith.addi %mul3A_142, %parallel_loop3A_151 : vector<16xi32>
          tpu.vector_store_idx %arg8[%parallel_loop3A_153], %parallel_loop3A_152 : memref<28672xf32, #tpu.memory_space<vmem>>[vector<16xi32>], vector<16xf32>,
        } {sc.loop_unroll_factor = 8 : i64, sc.parallel_access}
        %scan3A_145 = arith.constant 0 : i32
        scf.yield %scan3A_145 : i32
      }
      %scan3A_115 = arith.constant 56 : i32
      %mul3A_116 = arith.constant 32 : i32
      %mul3A_117 = arith.muli %add3A_92, %mul3A_116 : i32
      %add3A_118 = arith.addi %add3A, %mul3A_117 : i32
      %mul3A_119 = arith.constant 896 : i32
      %mul3A_120 = arith.muli %add3A_118, %mul3A_119 : i32
      %min3A_121 = arith.constant 2599040 : i32
      %min3A_122 = arith.minsi %mul3A_120, %min3A_121 : i32
      %mul3A_123 = arith.constant 32 : i32
      %mul3A_124 = arith.muli %min3A_122, %mul3A_123 : i32
      %dma_start3A_125 = tpu.memref_slice %arg4[%mul3A_124] : memref<83200000xf32, #tpu.memory_space<hbm>> -> memref<28672xf32, #tpu.memory_space<hbm>>
      %dma_start3A_126 = tpu.memref_slice %arg4[%mul3A_124] : memref<83200000xf32, #tpu.memory_space<hbm>> -> memref<28672xf32, #tpu.memory_space<hbm>>
      tpu.enqueue_dma source(%arg8 : memref<28672xf32, #tpu.memory_space<vmem>>) target(%dma_start3A_126 : memref<28672xf32, #tpu.memory_space<hbm>>) target_semaphore(%arg13 : memref<!tpu.dma_semaphore, #tpu.memory_space<semaphore_mem>>)
      %add3A_127 = arith.constant 2 : i32
      %add3A_128 = arith.addi %add3A_92, %add3A_127 : i32
      %lt3A_129 = arith.constant 92 : i32
      %lt3A_130 = arith.cmpi slt, %add3A_128, %lt3A_129 : i32
      %convert_element_type3A_131 = arith.extui %lt3A_130 : i1 to i32
      %cond3A_132 = arith.constant 0 : i32
      %cond3A_133 = arith.cmpi ne, %convert_element_type3A_131, %cond3A_132 : i32
      scf.if %cond3A_133 {
        %add3A_134 = arith.constant 2 : i32
        %add3A_135 = arith.addi %add3A_92, %add3A_134 : i32
        %mul3A_136 = arith.constant 32 : i32
        %mul3A_137 = arith.muli %add3A_135, %mul3A_136 : i32
        %add3A_138 = arith.addi %add3A, %mul3A_137 : i32
        %mul3A_139 = arith.constant 896 : i32
        %mul3A_140 = arith.muli %add3A_138, %mul3A_139 : i32
        %min3A_141 = arith.constant 2599040 : i32
        %min3A_142 = arith.minsi %mul3A_140, %min3A_141 : i32
        %dma_start3A_143 = arith.constant 0 : i32
        %dma_start3A_144 = tpu.memref_slice %arg2[%dma_start3A_143, %min3A_142] : memref<32x2600000xf32, #tpu.memory_space<hbm>> -> memref<32x896xf32, #tpu.memory_space<hbm>>
        %dma_start3A_145 = arith.constant 0 : i32
        %dma_start3A_146 = tpu.memref_slice %arg2[%dma_start3A_145, %min3A_142] : memref<32x2600000xf32, #tpu.memory_space<hbm>> -> memref<32x896xf32, #tpu.memory_space<hbm>>
        tpu.enqueue_dma source(%dma_start3A_146 : memref<32x896xf32, #tpu.memory_space<hbm>>) target(%arg6 : memref<32x896xf32, #tpu.memory_space<vmem>>) target_semaphore(%arg11 : memref<!tpu.dma_semaphore, #tpu.memory_space<semaphore_mem>>)
      } else {
      }
    }
    %scan3A_23 = arith.constant 46 : i32
    %add3A_24 = arith.constant 2880 : i32
    %add3A_25 = arith.addi %add3A, %add3A_24 : i32
    %mul3A_26 = arith.constant 896 : i32
    %mul3A_27 = arith.muli %add3A_25, %mul3A_26 : i32
    %min3A_28 = arith.constant 2599040 : i32
    %min3A_29 = arith.minsi %mul3A_27, %min3A_28 : i32
    %mul3A_30 = arith.constant 32 : i32
    %mul3A_31 = arith.muli %min3A_29, %mul3A_30 : i32
    %dma_wait3A = tpu.memref_slice %arg4[%mul3A_31] : memref<83200000xf32, #tpu.memory_space<hbm>> -> memref<28672xf32, #tpu.memory_space<hbm>>
    %dma_wait3A_32 = tpu.memref_slice %arg4[%mul3A_31] : memref<83200000xf32, #tpu.memory_space<hbm>> -> memref<28672xf32, #tpu.memory_space<hbm>>
    tpu.wait_dma2 semaphore(%arg12 : memref<!tpu.dma_semaphore, #tpu.memory_space<semaphore_mem>>) src(%arg7 : memref<28672xf32, #tpu.memory_space<vmem>>) dst(%dma_wait3A_32 : memref<28672xf32, #tpu.memory_space<hbm>>)
    %add3A_33 = arith.constant 2912 : i32
    %add3A_34 = arith.addi %add3A, %add3A_33 : i32
    %mul3A_35 = arith.constant 896 : i32
    %mul3A_36 = arith.muli %add3A_34, %mul3A_35 : i32
    %min3A_37 = arith.constant 2599040 : i32
    %min3A_38 = arith.minsi %mul3A_36, %min3A_37 : i32
    %mul3A_39 = arith.constant 32 : i32
    %mul3A_40 = arith.muli %min3A_38, %mul3A_39 : i32
    %dma_wait3A_41 = tpu.memref_slice %arg4[%mul3A_40] : memref<83200000xf32, #tpu.memory_space<hbm>> -> memref<28672xf32, #tpu.memory_space<hbm>>
    %dma_wait3A_42 = tpu.memref_slice %arg4[%mul3A_40] : memref<83200000xf32, #tpu.memory_space<hbm>> -> memref<28672xf32, #tpu.memory_space<hbm>>
    tpu.wait_dma2 semaphore(%arg13 : memref<!tpu.dma_semaphore, #tpu.memory_space<semaphore_mem>>) src(%arg8 : memref<28672xf32, #tpu.memory_space<vmem>>) dst(%dma_wait3A_42 : memref<28672xf32, #tpu.memory_space<hbm>>)
    %eq3A = arith.constant 0 : i32
    %eq3A_43 = arith.cmpi eq, %add3A, %eq3A : i32
    %convert_element_type3A = arith.extui %eq3A_43 : i1 to i32
    %cond3A = arith.constant 0 : i32
    %cond3A_44 = arith.cmpi ne, %convert_element_type3A, %cond3A : i32
    scf.if %cond3A_44 {
      "tpu.region"() ({
        %run_scoped3A = tpu.sem_alloc : memref<!tpu.dma_semaphore, #tpu.memory_space<semaphore_mem>>
        tpu.enqueue_dma source(%arg3 : memref<2048xf32, #tpu.memory_space<hbm>>) target(%arg9 : memref<2048xf32, #tpu.memory_space<vmem>>) target_semaphore(%run_scoped3A : memref<!tpu.dma_semaphore, #tpu.memory_space<semaphore_mem>>)
        tpu.wait_dma2 semaphore(%run_scoped3A : memref<!tpu.dma_semaphore, #tpu.memory_space<semaphore_mem>>) src(%arg3 : memref<2048xf32, #tpu.memory_space<hbm>>) dst(%arg9 : memref<2048xf32, #tpu.memory_space<vmem>>)
        tpu.yield
      }) : () -> ()
      "tpu.region"() ({
        %run_scoped3A = tpu.sem_alloc : memref<!tpu.dma_semaphore, #tpu.memory_space<semaphore_mem>>
        %dma_start3A_45 = arith.constant 83197952 : i32
        %dma_start3A_46 = tpu.memref_slice %arg4[%dma_start3A_45] : memref<83200000xf32, #tpu.memory_space<hbm>> -> memref<2048xf32, #tpu.memory_space<hbm>>
        %dma_start3A_47 = arith.constant 83197952 : i32
        %dma_start3A_48 = tpu.memref_slice %arg4[%dma_start3A_47] : memref<83200000xf32, #tpu.memory_space<hbm>> -> memref<2048xf32, #tpu.memory_space<hbm>>
        tpu.enqueue_dma source(%arg9 : memref<2048xf32, #tpu.memory_space<vmem>>) target(%dma_start3A_48 : memref<2048xf32, #tpu.memory_space<hbm>>) target_semaphore(%run_scoped3A : memref<!tpu.dma_semaphore, #tpu.memory_space<semaphore_mem>>)
        %dma_wait3A_49 = arith.constant 83197952 : i32
        %dma_wait3A_50 = tpu.memref_slice %arg4[%dma_wait3A_49] : memref<83200000xf32, #tpu.memory_space<hbm>> -> memref<2048xf32, #tpu.memory_space<hbm>>
        %dma_wait3A_51 = arith.constant 83197952 : i32
        %dma_wait3A_52 = tpu.memref_slice %arg4[%dma_wait3A_51] : memref<83200000xf32, #tpu.memory_space<hbm>> -> memref<2048xf32, #tpu.memory_space<hbm>>
        tpu.wait_dma2 semaphore(%run_scoped3A : memref<!tpu.dma_semaphore, #tpu.memory_space<semaphore_mem>>) src(%arg9 : memref<2048xf32, #tpu.memory_space<vmem>>) dst(%dma_wait3A_52 : memref<2048xf32, #tpu.memory_space<hbm>>)
        tpu.yield
      }) : () -> ()
    } else {
    }
    return
  }
}

#map = affine_map<(d0, d1) -> (0, 0)>
#map1 = affine_map<(d0, d1) -> (0)>
module attributes {stable_mosaic.version = 14 : i64} {
  func.func @_gather_body(%arg0: i32, %arg1: i32, %arg2: memref<3328x128xi32, #tpu.memory_space<hbm>>, %arg3: memref<52xi32, #tpu.memory_space<hbm>>, %arg4: memref<832xf32, #tpu.memory_space<hbm>>, %arg5: memref<2600000x32xf32, #tpu.memory_space<hbm>>, %arg6: memref<425984x32xf32, #tpu.memory_space<hbm>>, %arg7: memref<104x128xi32, #tpu.memory_space<vmem>>, %arg8: memref<128x32xf32, #tpu.memory_space<vmem>>, %arg9: memref<128x32xf32, #tpu.memory_space<vmem>>, %arg10: memref<52xi32, #tpu.memory_space<vmem>>, %arg11: memref<1664xf32, #tpu.memory_space<vmem>>, %arg12: memref<!tpu.dma_semaphore, #tpu.memory_space<semaphore_mem>>, %arg13: memref<!tpu.dma_semaphore, #tpu.memory_space<semaphore_mem>>, %arg14: memref<!tpu.dma_semaphore, #tpu.memory_space<semaphore_mem>>, %arg15: memref<!tpu.dma_semaphore, #tpu.memory_space<semaphore_mem>>) attributes {dimension_semantics = [#tpu.dimension_semantics<core_parallel>, #tpu.dimension_semantics<subcore_parallel>], iteration_bounds = array<i64: 2, 16>, scalar_prefetch = 0 : i64, scratch_operands = 9 : i64, tpu.core_type = #tpu.core_type<sc_vector_subcore>, window_params = [{transform_indices = #map}, {transform_indices = #map1}, {transform_indices = #map1}, {transform_indices = #map}, {transform_indices = #map}]} {
    %mul3A = arith.constant 2 : i32
    %mul3A_0 = arith.muli %arg1, %mul3A : i32
    %add3A = arith.addi %mul3A_0, %arg0 : i32
    "tpu.region"() ({
      %run_scoped3A = tpu.sem_alloc : memref<!tpu.dma_semaphore, #tpu.memory_space<semaphore_mem>>
      tpu.enqueue_dma source(%arg3 : memref<52xi32, #tpu.memory_space<hbm>>) target(%arg10 : memref<52xi32, #tpu.memory_space<vmem>>) target_semaphore(%run_scoped3A : memref<!tpu.dma_semaphore, #tpu.memory_space<semaphore_mem>>)
      tpu.wait_dma2 semaphore(%run_scoped3A : memref<!tpu.dma_semaphore, #tpu.memory_space<semaphore_mem>>) src(%arg3 : memref<52xi32, #tpu.memory_space<hbm>>) dst(%arg10 : memref<52xi32, #tpu.memory_space<vmem>>)
      tpu.yield
    }) : () -> ()
    "tpu.region"() ({
      %run_scoped3A = tpu.sem_alloc : memref<!tpu.dma_semaphore, #tpu.memory_space<semaphore_mem>>
      %dma_start3A_41 = arith.constant 0 : i32
      %dma_start3A_42 = tpu.memref_slice %arg11[%dma_start3A_41] : memref<1664xf32, #tpu.memory_space<vmem>> -> memref<832xf32, #tpu.memory_space<vmem>>
      %dma_start3A_43 = arith.constant 0 : i32
      %dma_start3A_44 = tpu.memref_slice %arg11[%dma_start3A_43] : memref<1664xf32, #tpu.memory_space<vmem>> -> memref<832xf32, #tpu.memory_space<vmem>>
      tpu.enqueue_dma source(%arg4 : memref<832xf32, #tpu.memory_space<hbm>>) target(%dma_start3A_44 : memref<832xf32, #tpu.memory_space<vmem>>) target_semaphore(%run_scoped3A : memref<!tpu.dma_semaphore, #tpu.memory_space<semaphore_mem>>)
      %dma_wait3A_45 = arith.constant 0 : i32
      %dma_wait3A_46 = tpu.memref_slice %arg11[%dma_wait3A_45] : memref<1664xf32, #tpu.memory_space<vmem>> -> memref<832xf32, #tpu.memory_space<vmem>>
      %dma_wait3A_47 = arith.constant 0 : i32
      %dma_wait3A_48 = tpu.memref_slice %arg11[%dma_wait3A_47] : memref<1664xf32, #tpu.memory_space<vmem>> -> memref<832xf32, #tpu.memory_space<vmem>>
      tpu.wait_dma2 semaphore(%run_scoped3A : memref<!tpu.dma_semaphore, #tpu.memory_space<semaphore_mem>>) src(%arg4 : memref<832xf32, #tpu.memory_space<hbm>>) dst(%dma_wait3A_48 : memref<832xf32, #tpu.memory_space<vmem>>)
      tpu.yield
    }) : () -> ()
    "tpu.region"() ({
      %run_scoped3A = tpu.sem_alloc : memref<!tpu.dma_semaphore, #tpu.memory_space<semaphore_mem>>
      %dma_start3A_41 = arith.constant 832 : i32
      %dma_start3A_42 = tpu.memref_slice %arg11[%dma_start3A_41] : memref<1664xf32, #tpu.memory_space<vmem>> -> memref<832xf32, #tpu.memory_space<vmem>>
      %dma_start3A_43 = arith.constant 832 : i32
      %dma_start3A_44 = tpu.memref_slice %arg11[%dma_start3A_43] : memref<1664xf32, #tpu.memory_space<vmem>> -> memref<832xf32, #tpu.memory_space<vmem>>
      tpu.enqueue_dma source(%arg4 : memref<832xf32, #tpu.memory_space<hbm>>) target(%dma_start3A_44 : memref<832xf32, #tpu.memory_space<vmem>>) target_semaphore(%run_scoped3A : memref<!tpu.dma_semaphore, #tpu.memory_space<semaphore_mem>>)
      %dma_wait3A_45 = arith.constant 832 : i32
      %dma_wait3A_46 = tpu.memref_slice %arg11[%dma_wait3A_45] : memref<1664xf32, #tpu.memory_space<vmem>> -> memref<832xf32, #tpu.memory_space<vmem>>
      %dma_wait3A_47 = arith.constant 832 : i32
      %dma_wait3A_48 = tpu.memref_slice %arg11[%dma_wait3A_47] : memref<1664xf32, #tpu.memory_space<vmem>> -> memref<832xf32, #tpu.memory_space<vmem>>
      tpu.wait_dma2 semaphore(%run_scoped3A : memref<!tpu.dma_semaphore, #tpu.memory_space<semaphore_mem>>) src(%arg4 : memref<832xf32, #tpu.memory_space<hbm>>) dst(%dma_wait3A_48 : memref<832xf32, #tpu.memory_space<vmem>>)
      tpu.yield
    }) : () -> ()
    %mul3A_1 = arith.constant 104 : i32
    %mul3A_2 = arith.muli %add3A, %mul3A_1 : i32
    "tpu.region"() ({
      %run_scoped3A = tpu.sem_alloc : memref<!tpu.dma_semaphore, #tpu.memory_space<semaphore_mem>>
      %dma_start3A_41 = arith.constant 0 : i32
      %dma_start3A_42 = tpu.memref_slice %arg2[%mul3A_2, %dma_start3A_41] : memref<3328x128xi32, #tpu.memory_space<hbm>> -> memref<104x128xi32, #tpu.memory_space<hbm>>
      %dma_start3A_43 = arith.constant 0 : i32
      %dma_start3A_44 = tpu.memref_slice %arg2[%mul3A_2, %dma_start3A_43] : memref<3328x128xi32, #tpu.memory_space<hbm>> -> memref<104x128xi32, #tpu.memory_space<hbm>>
      tpu.enqueue_dma source(%dma_start3A_44 : memref<104x128xi32, #tpu.memory_space<hbm>>) target(%arg7 : memref<104x128xi32, #tpu.memory_space<vmem>>) target_semaphore(%run_scoped3A : memref<!tpu.dma_semaphore, #tpu.memory_space<semaphore_mem>>)
      %dma_wait3A_45 = arith.constant 0 : i32
      %dma_wait3A_46 = tpu.memref_slice %arg2[%mul3A_2, %dma_wait3A_45] : memref<3328x128xi32, #tpu.memory_space<hbm>> -> memref<104x128xi32, #tpu.memory_space<hbm>>
      %dma_wait3A_47 = arith.constant 0 : i32
      %dma_wait3A_48 = tpu.memref_slice %arg2[%mul3A_2, %dma_wait3A_47] : memref<3328x128xi32, #tpu.memory_space<hbm>> -> memref<104x128xi32, #tpu.memory_space<hbm>>
      tpu.wait_dma2 semaphore(%run_scoped3A : memref<!tpu.dma_semaphore, #tpu.memory_space<semaphore_mem>>) src(%dma_wait3A_48 : memref<104x128xi32, #tpu.memory_space<hbm>>) dst(%arg7 : memref<104x128xi32, #tpu.memory_space<vmem>>)
      tpu.yield
    }) : () -> ()
    %scan3A = arith.constant 0 : i32
    %scan3A_3 = arith.constant 0 : i32
    %scan3A_4 = arith.constant 104 : i32
    %scan3A_5 = arith.addi %scan3A_3, %scan3A_4 : i32
    %scan3A_6 = arith.constant 1 : i32
    %scan3A_7 = scf.for %scan3A_41 = %scan3A_3 to %scan3A_5 step %scan3A_6 iter_args(%scan3A_42 = %scan3A) -> (i32)  : i32 {
      %get3A = arith.index_cast %scan3A_41 : i32 to index
      %get3A_43 = arith.constant 0 : index
      %get3A_44 = tpu.vector_load %arg7[%get3A, %get3A_43] {strides = array<i32>} : memref<104x128xi32, #tpu.memory_space<vmem>>, vector<1x16xi32>,
      %get3A_45 = vector.shape_cast %get3A_44 : vector<1x16xi32> to vector<16xi32>
      %get3A_46 = arith.index_cast %scan3A_42 : i32 to index
      %get3A_47 = tpu.vector_load %arg10[%get3A_46] {strides = array<i32>} : memref<52xi32, #tpu.memory_space<vmem>>, vector<16xi32>,
      %get3A_48 = vector.shape_cast %get3A_47 : vector<16xi32> to vector<16xi32>
      %add3A_49 = arith.addi %get3A_45, %get3A_48 : vector<16xi32>
      %swap3A = arith.index_cast %scan3A_41 : i32 to index
      %swap3A_50 = arith.constant 0 : index
      %swap3A_51 = tpu.vector_load %arg7[%swap3A, %swap3A_50] {strides = array<i32>} : memref<104x128xi32, #tpu.memory_space<vmem>>, vector<1x16xi32>,
      %swap3A_52 = vector.shape_cast %swap3A_51 : vector<1x16xi32> to vector<16xi32>
      %swap3A_53 = vector.shape_cast %add3A_49 : vector<16xi32> to vector<1x16xi32>
      tpu.vector_store %arg7[%swap3A, %swap3A_50], %swap3A_53 {strides = array<i32>} : memref<104x128xi32, #tpu.memory_space<vmem>>, vector<1x16xi32>,
      %add3A_54 = arith.constant 16 : i32
      %add3A_55 = arith.addi %scan3A_42, %add3A_54 : i32
      %ge3A = arith.constant 26 : i32
      %ge3A_56 = arith.cmpi sge, %add3A_55, %ge3A : i32
      %sub3A = arith.constant 26 : i32
      %sub3A_57 = arith.subi %add3A_55, %sub3A : i32
      %select_n3A = arith.select %ge3A_56, %sub3A_57, %add3A_55 : i32
      %get3A_58 = arith.index_cast %scan3A_41 : i32 to index
      %get3A_59 = arith.constant 16 : index
      %get3A_60 = tpu.vector_load %arg7[%get3A_58, %get3A_59] {strides = array<i32>} : memref<104x128xi32, #tpu.memory_space<vmem>>, vector<1x16xi32>,
      %get3A_61 = vector.shape_cast %get3A_60 : vector<1x16xi32> to vector<16xi32>
      %get3A_62 = arith.index_cast %select_n3A : i32 to index
      %get3A_63 = tpu.vector_load %arg10[%get3A_62] {strides = array<i32>} : memref<52xi32, #tpu.memory_space<vmem>>, vector<16xi32>,
      %get3A_64 = vector.shape_cast %get3A_63 : vector<16xi32> to vector<16xi32>
      %add3A_65 = arith.addi %get3A_61, %get3A_64 : vector<16xi32>
      %swap3A_66 = arith.index_cast %scan3A_41 : i32 to index
      %swap3A_67 = arith.constant 16 : index
      %swap3A_68 = tpu.vector_load %arg7[%swap3A_66, %swap3A_67] {strides = array<i32>} : memref<104x128xi32, #tpu.memory_space<vmem>>, vector<1x16xi32>,
      %swap3A_69 = vector.shape_cast %swap3A_68 : vector<1x16xi32> to vector<16xi32>
      %swap3A_70 = vector.shape_cast %add3A_65 : vector<16xi32> to vector<1x16xi32>
      tpu.vector_store %arg7[%swap3A_66, %swap3A_67], %swap3A_70 {strides = array<i32>} : memref<104x128xi32, #tpu.memory_space<vmem>>, vector<1x16xi32>,
      %add3A_71 = arith.constant 16 : i32
      %add3A_72 = arith.addi %select_n3A, %add3A_71 : i32
      %ge3A_73 = arith.constant 26 : i32
      %ge3A_74 = arith.cmpi sge, %add3A_72, %ge3A_73 : i32
      %sub3A_75 = arith.constant 26 : i32
      %sub3A_76 = arith.subi %add3A_72, %sub3A_75 : i32
      %select_n3A_77 = arith.select %ge3A_74, %sub3A_76, %add3A_72 : i32
      %get3A_78 = arith.index_cast %scan3A_41 : i32 to index
      %get3A_79 = arith.constant 32 : index
      %get3A_80 = tpu.vector_load %arg7[%get3A_78, %get3A_79] {strides = array<i32>} : memref<104x128xi32, #tpu.memory_space<vmem>>, vector<1x16xi32>,
      %get3A_81 = vector.shape_cast %get3A_80 : vector<1x16xi32> to vector<16xi32>
      %get3A_82 = arith.index_cast %select_n3A_77 : i32 to index
      %get3A_83 = tpu.vector_load %arg10[%get3A_82] {strides = array<i32>} : memref<52xi32, #tpu.memory_space<vmem>>, vector<16xi32>,
      %get3A_84 = vector.shape_cast %get3A_83 : vector<16xi32> to vector<16xi32>
      %add3A_85 = arith.addi %get3A_81, %get3A_84 : vector<16xi32>
      %swap3A_86 = arith.index_cast %scan3A_41 : i32 to index
      %swap3A_87 = arith.constant 32 : index
      %swap3A_88 = tpu.vector_load %arg7[%swap3A_86, %swap3A_87] {strides = array<i32>} : memref<104x128xi32, #tpu.memory_space<vmem>>, vector<1x16xi32>,
      %swap3A_89 = vector.shape_cast %swap3A_88 : vector<1x16xi32> to vector<16xi32>
      %swap3A_90 = vector.shape_cast %add3A_85 : vector<16xi32> to vector<1x16xi32>
      tpu.vector_store %arg7[%swap3A_86, %swap3A_87], %swap3A_90 {strides = array<i32>} : memref<104x128xi32, #tpu.memory_space<vmem>>, vector<1x16xi32>,
      %add3A_91 = arith.constant 16 : i32
      %add3A_92 = arith.addi %select_n3A_77, %add3A_91 : i32
      %ge3A_93 = arith.constant 26 : i32
      %ge3A_94 = arith.cmpi sge, %add3A_92, %ge3A_93 : i32
      %sub3A_95 = arith.constant 26 : i32
      %sub3A_96 = arith.subi %add3A_92, %sub3A_95 : i32
      %select_n3A_97 = arith.select %ge3A_94, %sub3A_96, %add3A_92 : i32
      %get3A_98 = arith.index_cast %scan3A_41 : i32 to index
      %get3A_99 = arith.constant 48 : index
      %get3A_100 = tpu.vector_load %arg7[%get3A_98, %get3A_99] {strides = array<i32>} : memref<104x128xi32, #tpu.memory_space<vmem>>, vector<1x16xi32>,
      %get3A_101 = vector.shape_cast %get3A_100 : vector<1x16xi32> to vector<16xi32>
      %get3A_102 = arith.index_cast %select_n3A_97 : i32 to index
      %get3A_103 = tpu.vector_load %arg10[%get3A_102] {strides = array<i32>} : memref<52xi32, #tpu.memory_space<vmem>>, vector<16xi32>,
      %get3A_104 = vector.shape_cast %get3A_103 : vector<16xi32> to vector<16xi32>
      %add3A_105 = arith.addi %get3A_101, %get3A_104 : vector<16xi32>
      %swap3A_106 = arith.index_cast %scan3A_41 : i32 to index
      %swap3A_107 = arith.constant 48 : index
      %swap3A_108 = tpu.vector_load %arg7[%swap3A_106, %swap3A_107] {strides = array<i32>} : memref<104x128xi32, #tpu.memory_space<vmem>>, vector<1x16xi32>,
      %swap3A_109 = vector.shape_cast %swap3A_108 : vector<1x16xi32> to vector<16xi32>
      %swap3A_110 = vector.shape_cast %add3A_105 : vector<16xi32> to vector<1x16xi32>
      tpu.vector_store %arg7[%swap3A_106, %swap3A_107], %swap3A_110 {strides = array<i32>} : memref<104x128xi32, #tpu.memory_space<vmem>>, vector<1x16xi32>,
      %add3A_111 = arith.constant 16 : i32
      %add3A_112 = arith.addi %select_n3A_97, %add3A_111 : i32
      %ge3A_113 = arith.constant 26 : i32
      %ge3A_114 = arith.cmpi sge, %add3A_112, %ge3A_113 : i32
      %sub3A_115 = arith.constant 26 : i32
      %sub3A_116 = arith.subi %add3A_112, %sub3A_115 : i32
      %select_n3A_117 = arith.select %ge3A_114, %sub3A_116, %add3A_112 : i32
      %get3A_118 = arith.index_cast %scan3A_41 : i32 to index
      %get3A_119 = arith.constant 64 : index
      %get3A_120 = tpu.vector_load %arg7[%get3A_118, %get3A_119] {strides = array<i32>} : memref<104x128xi32, #tpu.memory_space<vmem>>, vector<1x16xi32>,
      %get3A_121 = vector.shape_cast %get3A_120 : vector<1x16xi32> to vector<16xi32>
      %get3A_122 = arith.index_cast %select_n3A_117 : i32 to index
      %get3A_123 = tpu.vector_load %arg10[%get3A_122] {strides = array<i32>} : memref<52xi32, #tpu.memory_space<vmem>>, vector<16xi32>,
      %get3A_124 = vector.shape_cast %get3A_123 : vector<16xi32> to vector<16xi32>
      %add3A_125 = arith.addi %get3A_121, %get3A_124 : vector<16xi32>
      %swap3A_126 = arith.index_cast %scan3A_41 : i32 to index
      %swap3A_127 = arith.constant 64 : index
      %swap3A_128 = tpu.vector_load %arg7[%swap3A_126, %swap3A_127] {strides = array<i32>} : memref<104x128xi32, #tpu.memory_space<vmem>>, vector<1x16xi32>,
      %swap3A_129 = vector.shape_cast %swap3A_128 : vector<1x16xi32> to vector<16xi32>
      %swap3A_130 = vector.shape_cast %add3A_125 : vector<16xi32> to vector<1x16xi32>
      tpu.vector_store %arg7[%swap3A_126, %swap3A_127], %swap3A_130 {strides = array<i32>} : memref<104x128xi32, #tpu.memory_space<vmem>>, vector<1x16xi32>,
      %add3A_131 = arith.constant 16 : i32
      %add3A_132 = arith.addi %select_n3A_117, %add3A_131 : i32
      %ge3A_133 = arith.constant 26 : i32
      %ge3A_134 = arith.cmpi sge, %add3A_132, %ge3A_133 : i32
      %sub3A_135 = arith.constant 26 : i32
      %sub3A_136 = arith.subi %add3A_132, %sub3A_135 : i32
      %select_n3A_137 = arith.select %ge3A_134, %sub3A_136, %add3A_132 : i32
      %get3A_138 = arith.index_cast %scan3A_41 : i32 to index
      %get3A_139 = arith.constant 80 : index
      %get3A_140 = tpu.vector_load %arg7[%get3A_138, %get3A_139] {strides = array<i32>} : memref<104x128xi32, #tpu.memory_space<vmem>>, vector<1x16xi32>,
      %get3A_141 = vector.shape_cast %get3A_140 : vector<1x16xi32> to vector<16xi32>
      %get3A_142 = arith.index_cast %select_n3A_137 : i32 to index
      %get3A_143 = tpu.vector_load %arg10[%get3A_142] {strides = array<i32>} : memref<52xi32, #tpu.memory_space<vmem>>, vector<16xi32>,
      %get3A_144 = vector.shape_cast %get3A_143 : vector<16xi32> to vector<16xi32>
      %add3A_145 = arith.addi %get3A_141, %get3A_144 : vector<16xi32>
      %swap3A_146 = arith.index_cast %scan3A_41 : i32 to index
      %swap3A_147 = arith.constant 80 : index
      %swap3A_148 = tpu.vector_load %arg7[%swap3A_146, %swap3A_147] {strides = array<i32>} : memref<104x128xi32, #tpu.memory_space<vmem>>, vector<1x16xi32>,
      %swap3A_149 = vector.shape_cast %swap3A_148 : vector<1x16xi32> to vector<16xi32>
      %swap3A_150 = vector.shape_cast %add3A_145 : vector<16xi32> to vector<1x16xi32>
      tpu.vector_store %arg7[%swap3A_146, %swap3A_147], %swap3A_150 {strides = array<i32>} : memref<104x128xi32, #tpu.memory_space<vmem>>, vector<1x16xi32>,
      %add3A_151 = arith.constant 16 : i32
      %add3A_152 = arith.addi %select_n3A_137, %add3A_151 : i32
      %ge3A_153 = arith.constant 26 : i32
      %ge3A_154 = arith.cmpi sge, %add3A_152, %ge3A_153 : i32
      %sub3A_155 = arith.constant 26 : i32
      %sub3A_156 = arith.subi %add3A_152, %sub3A_155 : i32
      %select_n3A_157 = arith.select %ge3A_154, %sub3A_156, %add3A_152 : i32
      %get3A_158 = arith.index_cast %scan3A_41 : i32 to index
      %get3A_159 = arith.constant 96 : index
      %get3A_160 = tpu.vector_load %arg7[%get3A_158, %get3A_159] {strides = array<i32>} : memref<104x128xi32, #tpu.memory_space<vmem>>, vector<1x16xi32>,
      %get3A_161 = vector.shape_cast %get3A_160 : vector<1x16xi32> to vector<16xi32>
      %get3A_162 = arith.index_cast %select_n3A_157 : i32 to index
      %get3A_163 = tpu.vector_load %arg10[%get3A_162] {strides = array<i32>} : memref<52xi32, #tpu.memory_space<vmem>>, vector<16xi32>,
      %get3A_164 = vector.shape_cast %get3A_163 : vector<16xi32> to vector<16xi32>
      %add3A_165 = arith.addi %get3A_161, %get3A_164 : vector<16xi32>
      %swap3A_166 = arith.index_cast %scan3A_41 : i32 to index
      %swap3A_167 = arith.constant 96 : index
      %swap3A_168 = tpu.vector_load %arg7[%swap3A_166, %swap3A_167] {strides = array<i32>} : memref<104x128xi32, #tpu.memory_space<vmem>>, vector<1x16xi32>,
      %swap3A_169 = vector.shape_cast %swap3A_168 : vector<1x16xi32> to vector<16xi32>
      %swap3A_170 = vector.shape_cast %add3A_165 : vector<16xi32> to vector<1x16xi32>
      tpu.vector_store %arg7[%swap3A_166, %swap3A_167], %swap3A_170 {strides = array<i32>} : memref<104x128xi32, #tpu.memory_space<vmem>>, vector<1x16xi32>,
      %add3A_171 = arith.constant 16 : i32
      %add3A_172 = arith.addi %select_n3A_157, %add3A_171 : i32
      %ge3A_173 = arith.constant 26 : i32
      %ge3A_174 = arith.cmpi sge, %add3A_172, %ge3A_173 : i32
      %sub3A_175 = arith.constant 26 : i32
      %sub3A_176 = arith.subi %add3A_172, %sub3A_175 : i32
      %select_n3A_177 = arith.select %ge3A_174, %sub3A_176, %add3A_172 : i32
      %get3A_178 = arith.index_cast %scan3A_41 : i32 to index
      %get3A_179 = arith.constant 112 : index
      %get3A_180 = tpu.vector_load %arg7[%get3A_178, %get3A_179] {strides = array<i32>} : memref<104x128xi32, #tpu.memory_space<vmem>>, vector<1x16xi32>,
      %get3A_181 = vector.shape_cast %get3A_180 : vector<1x16xi32> to vector<16xi32>
      %get3A_182 = arith.index_cast %select_n3A_177 : i32 to index
      %get3A_183 = tpu.vector_load %arg10[%get3A_182] {strides = array<i32>} : memref<52xi32, #tpu.memory_space<vmem>>, vector<16xi32>,
      %get3A_184 = vector.shape_cast %get3A_183 : vector<16xi32> to vector<16xi32>
      %add3A_185 = arith.addi %get3A_181, %get3A_184 : vector<16xi32>
      %swap3A_186 = arith.index_cast %scan3A_41 : i32 to index
      %swap3A_187 = arith.constant 112 : index
      %swap3A_188 = tpu.vector_load %arg7[%swap3A_186, %swap3A_187] {strides = array<i32>} : memref<104x128xi32, #tpu.memory_space<vmem>>, vector<1x16xi32>,
      %swap3A_189 = vector.shape_cast %swap3A_188 : vector<1x16xi32> to vector<16xi32>
      %swap3A_190 = vector.shape_cast %add3A_185 : vector<16xi32> to vector<1x16xi32>
      tpu.vector_store %arg7[%swap3A_186, %swap3A_187], %swap3A_190 {strides = array<i32>} : memref<104x128xi32, #tpu.memory_space<vmem>>, vector<1x16xi32>,
      %add3A_191 = arith.constant 16 : i32
      %add3A_192 = arith.addi %select_n3A_177, %add3A_191 : i32
      %ge3A_193 = arith.constant 26 : i32
      %ge3A_194 = arith.cmpi sge, %add3A_192, %ge3A_193 : i32
      %sub3A_195 = arith.constant 26 : i32
      %sub3A_196 = arith.subi %add3A_192, %sub3A_195 : i32
      %select_n3A_197 = arith.select %ge3A_194, %sub3A_196, %add3A_192 : i32
      scf.yield %select_n3A_197 : i32
    }
    %scan3A_8 = arith.constant 104 : i32
    %mul3A_9 = arith.constant 13312 : i32
    %mul3A_10 = arith.muli %add3A, %mul3A_9 : i32
    %dma_start3A = arith.constant 0 : i32
    %dma_start3A_11 = arith.constant 0 : i32
    %dma_start3A_12 = tpu.memref_slice %arg7[%dma_start3A, %dma_start3A_11] : memref<104x128xi32, #tpu.memory_space<vmem>> -> memref<1x128xi32, #tpu.memory_space<vmem>>
    %dma_start3A_13 = tpu.memref_squeeze %dma_start3A_12 : memref<1x128xi32, #tpu.memory_space<vmem>> -> memref<128xi32, #tpu.memory_space<vmem>>
    %dma_start3A_14 = arith.constant 0 : i32
    %dma_start3A_15 = arith.constant 0 : i32
    %dma_start3A_16 = tpu.memref_slice %arg5[%dma_start3A_14, %dma_start3A_15] : memref<2600000x32xf32, #tpu.memory_space<hbm>> -> memref<2600000x32xf32, #tpu.memory_space<hbm>>
    tpu.enqueue_indirect_dma source(%dma_start3A_16 : memref<2600000x32xf32, #tpu.memory_space<hbm>>) target(%arg8 : memref<128x32xf32, #tpu.memory_space<vmem>>) offsets(%dma_start3A_13 : memref<128xi32, #tpu.memory_space<vmem>>) semaphore(%arg12 : memref<!tpu.dma_semaphore, #tpu.memory_space<semaphore_mem>>)
    %dma_start3A_17 = arith.constant 1 : i32
    %dma_start3A_18 = arith.constant 0 : i32
    %dma_start3A_19 = tpu.memref_slice %arg7[%dma_start3A_17, %dma_start3A_18] : memref<104x128xi32, #tpu.memory_space<vmem>> -> memref<1x128xi32, #tpu.memory_space<vmem>>
    %dma_start3A_20 = tpu.memref_squeeze %dma_start3A_19 : memref<1x128xi32, #tpu.memory_space<vmem>> -> memref<128xi32, #tpu.memory_space<vmem>>
    %dma_start3A_21 = arith.constant 0 : i32
    %dma_start3A_22 = arith.constant 0 : i32
    %dma_start3A_23 = tpu.memref_slice %arg5[%dma_start3A_21, %dma_start3A_22] : memref<2600000x32xf32, #tpu.memory_space<hbm>> -> memref<2600000x32xf32, #tpu.memory_space<hbm>>
    tpu.enqueue_indirect_dma source(%dma_start3A_23 : memref<2600000x32xf32, #tpu.memory_space<hbm>>) target(%arg9 : memref<128x32xf32, #tpu.memory_space<vmem>>) offsets(%dma_start3A_20 : memref<128xi32, #tpu.memory_space<vmem>>) semaphore(%arg13 : memref<!tpu.dma_semaphore, #tpu.memory_space<semaphore_mem>>)
    %scan3A_24 = arith.constant 0 : i32
    %scan3A_25 = arith.constant 0 : i32
    %scan3A_26 = arith.constant 52 : i32
    %scan3A_27 = arith.addi %scan3A_25, %scan3A_26 : i32
    %scan3A_28 = arith.constant 1 : i32
    scf.for %scan3A_41 = %scan3A_25 to %scan3A_27 step %scan3A_28  : i32 {
      %mul3A_42 = arith.constant 2 : i32
      %mul3A_43 = arith.muli %scan3A_41, %mul3A_42 : i32
      %add3A_44 = arith.constant 0 : i32
      %add3A_45 = arith.addi %mul3A_43, %add3A_44 : i32
      %dma_wait3A_46 = arith.constant 0 : i32
      %dma_wait3A_47 = tpu.memref_slice %arg7[%add3A_45, %dma_wait3A_46] : memref<104x128xi32, #tpu.memory_space<vmem>> -> memref<1x128xi32, #tpu.memory_space<vmem>>
      %dma_wait3A_48 = tpu.memref_squeeze %dma_wait3A_47 : memref<1x128xi32, #tpu.memory_space<vmem>> -> memref<128xi32, #tpu.memory_space<vmem>>
      %dma_wait3A_49 = arith.constant 0 : i32
      %dma_wait3A_50 = arith.constant 0 : i32
      %dma_wait3A_51 = tpu.memref_slice %arg5[%dma_wait3A_49, %dma_wait3A_50] : memref<2600000x32xf32, #tpu.memory_space<hbm>> -> memref<2600000x32xf32, #tpu.memory_space<hbm>>
      tpu.wait_indirect_dma semaphore(%arg12 : memref<!tpu.dma_semaphore, #tpu.memory_space<semaphore_mem>>) src(%dma_wait3A_51 : memref<2600000x32xf32, #tpu.memory_space<hbm>>) dst(%arg8 : memref<128x32xf32, #tpu.memory_space<vmem>>)
      %ge3A = arith.constant 2 : i32
      %ge3A_52 = arith.cmpi sge, %add3A_45, %ge3A : i32
      %convert_element_type3A = arith.extui %ge3A_52 : i1 to i32
      %cond3A = arith.constant 0 : i32
      %cond3A_53 = arith.cmpi ne, %convert_element_type3A, %cond3A : i32
      scf.if %cond3A_53 {
        %sub3A = arith.constant 2 : i32
        %sub3A_119 = arith.subi %add3A_45, %sub3A : i32
        %mul3A_120 = arith.constant 128 : i32
        %mul3A_121 = arith.muli %sub3A_119, %mul3A_120 : i32
        %add3A_122 = arith.addi %mul3A_10, %mul3A_121 : i32
        %dma_wait3A_123 = arith.constant 0 : i32
        %dma_wait3A_124 = tpu.memref_slice %arg6[%add3A_122, %dma_wait3A_123] : memref<425984x32xf32, #tpu.memory_space<hbm>> -> memref<128x32xf32, #tpu.memory_space<hbm>>
        %dma_wait3A_125 = arith.constant 0 : i32
        %dma_wait3A_126 = tpu.memref_slice %arg6[%add3A_122, %dma_wait3A_125] : memref<425984x32xf32, #tpu.memory_space<hbm>> -> memref<128x32xf32, #tpu.memory_space<hbm>>
        tpu.wait_dma2 semaphore(%arg14 : memref<!tpu.dma_semaphore, #tpu.memory_space<semaphore_mem>>) src(%arg8 : memref<128x32xf32, #tpu.memory_space<vmem>>) dst(%dma_wait3A_126 : memref<128x32xf32, #tpu.memory_space<hbm>>)
      } else {
      }
      %mul3A_54 = arith.constant 128 : i32
      %mul3A_55 = arith.muli %add3A_45, %mul3A_54 : i32
      %rem3A = arith.constant 26 : i32
      %rem3A_56 = arith.remsi %mul3A_55, %rem3A : i32
      %mul3A_57 = arith.constant 32 : i32
      %mul3A_58 = arith.muli %rem3A_56, %mul3A_57 : i32
      %scan3A_59 = arith.constant 0 : i32
      %scan3A_60 = arith.constant 128 : i32
      %scan3A_61 = arith.addi %scan3A_59, %scan3A_60 : i32
      %scan3A_62 = arith.constant 1 : i32
      %scan3A_63 = scf.for %scan3A_119 = %scan3A_59 to %scan3A_61 step %scan3A_62 iter_args(%scan3A_120 = %mul3A_58) -> (i32)  : i32 {
        %get3A = arith.index_cast %scan3A_119 : i32 to index
        %get3A_121 = arith.constant 0 : index
        %get3A_122 = tpu.vector_load %arg8[%get3A, %get3A_121] {strides = array<i32>} : memref<128x32xf32, #tpu.memory_space<vmem>>, vector<1x16xf32>,
        %get3A_123 = vector.shape_cast %get3A_122 : vector<1x16xf32> to vector<16xf32>
        %get3A_124 = arith.index_cast %scan3A_120 : i32 to index
        %get3A_125 = tpu.vector_load %arg11[%get3A_124] {strides = array<i32>} : memref<1664xf32, #tpu.memory_space<vmem>>, vector<16xf32>,
        %get3A_126 = vector.shape_cast %get3A_125 : vector<16xf32> to vector<16xf32>
        %add3A_127 = arith.addf %get3A_123, %get3A_126 : vector<16xf32>
        %swap3A = arith.index_cast %scan3A_119 : i32 to index
        %swap3A_128 = arith.constant 0 : index
        %swap3A_129 = tpu.vector_load %arg8[%swap3A, %swap3A_128] {strides = array<i32>} : memref<128x32xf32, #tpu.memory_space<vmem>>, vector<1x16xf32>,
        %swap3A_130 = vector.shape_cast %swap3A_129 : vector<1x16xf32> to vector<16xf32>
        %swap3A_131 = vector.shape_cast %add3A_127 : vector<16xf32> to vector<1x16xf32>
        tpu.vector_store %arg8[%swap3A, %swap3A_128], %swap3A_131 {strides = array<i32>} : memref<128x32xf32, #tpu.memory_space<vmem>>, vector<1x16xf32>,
        %get3A_132 = arith.index_cast %scan3A_119 : i32 to index
        %get3A_133 = arith.constant 16 : index
        %get3A_134 = tpu.vector_load %arg8[%get3A_132, %get3A_133] {strides = array<i32>} : memref<128x32xf32, #tpu.memory_space<vmem>>, vector<1x16xf32>,
        %get3A_135 = vector.shape_cast %get3A_134 : vector<1x16xf32> to vector<16xf32>
        %add3A_136 = arith.constant 16 : i32
        %add3A_137 = arith.addi %scan3A_120, %add3A_136 : i32
        %get3A_138 = arith.index_cast %add3A_137 : i32 to index
        %get3A_139 = tpu.vector_load %arg11[%get3A_138] {strides = array<i32>} : memref<1664xf32, #tpu.memory_space<vmem>>, vector<16xf32>,
        %get3A_140 = vector.shape_cast %get3A_139 : vector<16xf32> to vector<16xf32>
        %add3A_141 = arith.addf %get3A_135, %get3A_140 : vector<16xf32>
        %swap3A_142 = arith.index_cast %scan3A_119 : i32 to index
        %swap3A_143 = arith.constant 16 : index
        %swap3A_144 = tpu.vector_load %arg8[%swap3A_142, %swap3A_143] {strides = array<i32>} : memref<128x32xf32, #tpu.memory_space<vmem>>, vector<1x16xf32>,
        %swap3A_145 = vector.shape_cast %swap3A_144 : vector<1x16xf32> to vector<16xf32>
        %swap3A_146 = vector.shape_cast %add3A_141 : vector<16xf32> to vector<1x16xf32>
        tpu.vector_store %arg8[%swap3A_142, %swap3A_143], %swap3A_146 {strides = array<i32>} : memref<128x32xf32, #tpu.memory_space<vmem>>, vector<1x16xf32>,
        %add3A_147 = arith.constant 32 : i32
        %add3A_148 = arith.addi %scan3A_120, %add3A_147 : i32
        %ge3A_149 = arith.constant 832 : i32
        %ge3A_150 = arith.cmpi sge, %add3A_148, %ge3A_149 : i32
        %sub3A = arith.constant 832 : i32
        %sub3A_151 = arith.subi %add3A_148, %sub3A : i32
        %select_n3A = arith.select %ge3A_150, %sub3A_151, %add3A_148 : i32
        scf.yield %select_n3A : i32
      }
      %scan3A_64 = arith.constant 128 : i32
      %mul3A_65 = arith.constant 128 : i32
      %mul3A_66 = arith.muli %add3A_45, %mul3A_65 : i32
      %add3A_67 = arith.addi %mul3A_10, %mul3A_66 : i32
      %dma_start3A_68 = arith.constant 0 : i32
      %dma_start3A_69 = tpu.memref_slice %arg6[%add3A_67, %dma_start3A_68] : memref<425984x32xf32, #tpu.memory_space<hbm>> -> memref<128x32xf32, #tpu.memory_space<hbm>>
      %dma_start3A_70 = arith.constant 0 : i32
      %dma_start3A_71 = tpu.memref_slice %arg6[%add3A_67, %dma_start3A_70] : memref<425984x32xf32, #tpu.memory_space<hbm>> -> memref<128x32xf32, #tpu.memory_space<hbm>>
      tpu.enqueue_dma source(%arg8 : memref<128x32xf32, #tpu.memory_space<vmem>>) target(%dma_start3A_71 : memref<128x32xf32, #tpu.memory_space<hbm>>) target_semaphore(%arg14 : memref<!tpu.dma_semaphore, #tpu.memory_space<semaphore_mem>>)
      %add3A_72 = arith.constant 2 : i32
      %add3A_73 = arith.addi %add3A_45, %add3A_72 : i32
      %lt3A = arith.constant 104 : i32
      %lt3A_74 = arith.cmpi slt, %add3A_73, %lt3A : i32
      %convert_element_type3A_75 = arith.extui %lt3A_74 : i1 to i32
      %cond3A_76 = arith.constant 0 : i32
      %cond3A_77 = arith.cmpi ne, %convert_element_type3A_75, %cond3A_76 : i32
      scf.if %cond3A_77 {
        %add3A_119 = arith.constant 2 : i32
        %add3A_120 = arith.addi %add3A_45, %add3A_119 : i32
        %dma_start3A_121 = arith.constant 0 : i32
        %dma_start3A_122 = tpu.memref_slice %arg7[%add3A_120, %dma_start3A_121] : memref<104x128xi32, #tpu.memory_space<vmem>> -> memref<1x128xi32, #tpu.memory_space<vmem>>
        %dma_start3A_123 = tpu.memref_squeeze %dma_start3A_122 : memref<1x128xi32, #tpu.memory_space<vmem>> -> memref<128xi32, #tpu.memory_space<vmem>>
        %dma_start3A_124 = arith.constant 0 : i32
        %dma_start3A_125 = arith.constant 0 : i32
        %dma_start3A_126 = tpu.memref_slice %arg5[%dma_start3A_124, %dma_start3A_125] : memref<2600000x32xf32, #tpu.memory_space<hbm>> -> memref<2600000x32xf32, #tpu.memory_space<hbm>>
        tpu.enqueue_indirect_dma source(%dma_start3A_126 : memref<2600000x32xf32, #tpu.memory_space<hbm>>) target(%arg8 : memref<128x32xf32, #tpu.memory_space<vmem>>) offsets(%dma_start3A_123 : memref<128xi32, #tpu.memory_space<vmem>>) semaphore(%arg12 : memref<!tpu.dma_semaphore, #tpu.memory_space<semaphore_mem>>)
      } else {
      }
      %mul3A_78 = arith.constant 2 : i32
      %mul3A_79 = arith.muli %scan3A_41, %mul3A_78 : i32
      %add3A_80 = arith.constant 1 : i32
      %add3A_81 = arith.addi %mul3A_79, %add3A_80 : i32
      %dma_wait3A_82 = arith.constant 0 : i32
      %dma_wait3A_83 = tpu.memref_slice %arg7[%add3A_81, %dma_wait3A_82] : memref<104x128xi32, #tpu.memory_space<vmem>> -> memref<1x128xi32, #tpu.memory_space<vmem>>
      %dma_wait3A_84 = tpu.memref_squeeze %dma_wait3A_83 : memref<1x128xi32, #tpu.memory_space<vmem>> -> memref<128xi32, #tpu.memory_space<vmem>>
      %dma_wait3A_85 = arith.constant 0 : i32
      %dma_wait3A_86 = arith.constant 0 : i32
      %dma_wait3A_87 = tpu.memref_slice %arg5[%dma_wait3A_85, %dma_wait3A_86] : memref<2600000x32xf32, #tpu.memory_space<hbm>> -> memref<2600000x32xf32, #tpu.memory_space<hbm>>
      tpu.wait_indirect_dma semaphore(%arg13 : memref<!tpu.dma_semaphore, #tpu.memory_space<semaphore_mem>>) src(%dma_wait3A_87 : memref<2600000x32xf32, #tpu.memory_space<hbm>>) dst(%arg9 : memref<128x32xf32, #tpu.memory_space<vmem>>)
      %ge3A_88 = arith.constant 2 : i32
      %ge3A_89 = arith.cmpi sge, %add3A_81, %ge3A_88 : i32
      %convert_element_type3A_90 = arith.extui %ge3A_89 : i1 to i32
      %cond3A_91 = arith.constant 0 : i32
      %cond3A_92 = arith.cmpi ne, %convert_element_type3A_90, %cond3A_91 : i32
      scf.if %cond3A_92 {
        %sub3A = arith.constant 2 : i32
        %sub3A_119 = arith.subi %add3A_81, %sub3A : i32
        %mul3A_120 = arith.constant 128 : i32
        %mul3A_121 = arith.muli %sub3A_119, %mul3A_120 : i32
        %add3A_122 = arith.addi %mul3A_10, %mul3A_121 : i32
        %dma_wait3A_123 = arith.constant 0 : i32
        %dma_wait3A_124 = tpu.memref_slice %arg6[%add3A_122, %dma_wait3A_123] : memref<425984x32xf32, #tpu.memory_space<hbm>> -> memref<128x32xf32, #tpu.memory_space<hbm>>
        %dma_wait3A_125 = arith.constant 0 : i32
        %dma_wait3A_126 = tpu.memref_slice %arg6[%add3A_122, %dma_wait3A_125] : memref<425984x32xf32, #tpu.memory_space<hbm>> -> memref<128x32xf32, #tpu.memory_space<hbm>>
        tpu.wait_dma2 semaphore(%arg15 : memref<!tpu.dma_semaphore, #tpu.memory_space<semaphore_mem>>) src(%arg9 : memref<128x32xf32, #tpu.memory_space<vmem>>) dst(%dma_wait3A_126 : memref<128x32xf32, #tpu.memory_space<hbm>>)
      } else {
      }
      %mul3A_93 = arith.constant 128 : i32
      %mul3A_94 = arith.muli %add3A_81, %mul3A_93 : i32
      %rem3A_95 = arith.constant 26 : i32
      %rem3A_96 = arith.remsi %mul3A_94, %rem3A_95 : i32
      %mul3A_97 = arith.constant 32 : i32
      %mul3A_98 = arith.muli %rem3A_96, %mul3A_97 : i32
      %scan3A_99 = arith.constant 0 : i32
      %scan3A_100 = arith.constant 128 : i32
      %scan3A_101 = arith.addi %scan3A_99, %scan3A_100 : i32
      %scan3A_102 = arith.constant 1 : i32
      %scan3A_103 = scf.for %scan3A_119 = %scan3A_99 to %scan3A_101 step %scan3A_102 iter_args(%scan3A_120 = %mul3A_98) -> (i32)  : i32 {
        %get3A = arith.index_cast %scan3A_119 : i32 to index
        %get3A_121 = arith.constant 0 : index
        %get3A_122 = tpu.vector_load %arg9[%get3A, %get3A_121] {strides = array<i32>} : memref<128x32xf32, #tpu.memory_space<vmem>>, vector<1x16xf32>,
        %get3A_123 = vector.shape_cast %get3A_122 : vector<1x16xf32> to vector<16xf32>
        %get3A_124 = arith.index_cast %scan3A_120 : i32 to index
        %get3A_125 = tpu.vector_load %arg11[%get3A_124] {strides = array<i32>} : memref<1664xf32, #tpu.memory_space<vmem>>, vector<16xf32>,
        %get3A_126 = vector.shape_cast %get3A_125 : vector<16xf32> to vector<16xf32>
        %add3A_127 = arith.addf %get3A_123, %get3A_126 : vector<16xf32>
        %swap3A = arith.index_cast %scan3A_119 : i32 to index
        %swap3A_128 = arith.constant 0 : index
        %swap3A_129 = tpu.vector_load %arg9[%swap3A, %swap3A_128] {strides = array<i32>} : memref<128x32xf32, #tpu.memory_space<vmem>>, vector<1x16xf32>,
        %swap3A_130 = vector.shape_cast %swap3A_129 : vector<1x16xf32> to vector<16xf32>
        %swap3A_131 = vector.shape_cast %add3A_127 : vector<16xf32> to vector<1x16xf32>
        tpu.vector_store %arg9[%swap3A, %swap3A_128], %swap3A_131 {strides = array<i32>} : memref<128x32xf32, #tpu.memory_space<vmem>>, vector<1x16xf32>,
        %get3A_132 = arith.index_cast %scan3A_119 : i32 to index
        %get3A_133 = arith.constant 16 : index
        %get3A_134 = tpu.vector_load %arg9[%get3A_132, %get3A_133] {strides = array<i32>} : memref<128x32xf32, #tpu.memory_space<vmem>>, vector<1x16xf32>,
        %get3A_135 = vector.shape_cast %get3A_134 : vector<1x16xf32> to vector<16xf32>
        %add3A_136 = arith.constant 16 : i32
        %add3A_137 = arith.addi %scan3A_120, %add3A_136 : i32
        %get3A_138 = arith.index_cast %add3A_137 : i32 to index
        %get3A_139 = tpu.vector_load %arg11[%get3A_138] {strides = array<i32>} : memref<1664xf32, #tpu.memory_space<vmem>>, vector<16xf32>,
        %get3A_140 = vector.shape_cast %get3A_139 : vector<16xf32> to vector<16xf32>
        %add3A_141 = arith.addf %get3A_135, %get3A_140 : vector<16xf32>
        %swap3A_142 = arith.index_cast %scan3A_119 : i32 to index
        %swap3A_143 = arith.constant 16 : index
        %swap3A_144 = tpu.vector_load %arg9[%swap3A_142, %swap3A_143] {strides = array<i32>} : memref<128x32xf32, #tpu.memory_space<vmem>>, vector<1x16xf32>,
        %swap3A_145 = vector.shape_cast %swap3A_144 : vector<1x16xf32> to vector<16xf32>
        %swap3A_146 = vector.shape_cast %add3A_141 : vector<16xf32> to vector<1x16xf32>
        tpu.vector_store %arg9[%swap3A_142, %swap3A_143], %swap3A_146 {strides = array<i32>} : memref<128x32xf32, #tpu.memory_space<vmem>>, vector<1x16xf32>,
        %add3A_147 = arith.constant 32 : i32
        %add3A_148 = arith.addi %scan3A_120, %add3A_147 : i32
        %ge3A_149 = arith.constant 832 : i32
        %ge3A_150 = arith.cmpi sge, %add3A_148, %ge3A_149 : i32
        %sub3A = arith.constant 832 : i32
        %sub3A_151 = arith.subi %add3A_148, %sub3A : i32
        %select_n3A = arith.select %ge3A_150, %sub3A_151, %add3A_148 : i32
        scf.yield %select_n3A : i32
      }
      %scan3A_104 = arith.constant 128 : i32
      %mul3A_105 = arith.constant 128 : i32
      %mul3A_106 = arith.muli %add3A_81, %mul3A_105 : i32
      %add3A_107 = arith.addi %mul3A_10, %mul3A_106 : i32
      %dma_start3A_108 = arith.constant 0 : i32
      %dma_start3A_109 = tpu.memref_slice %arg6[%add3A_107, %dma_start3A_108] : memref<425984x32xf32, #tpu.memory_space<hbm>> -> memref<128x32xf32, #tpu.memory_space<hbm>>
      %dma_start3A_110 = arith.constant 0 : i32
      %dma_start3A_111 = tpu.memref_slice %arg6[%add3A_107, %dma_start3A_110] : memref<425984x32xf32, #tpu.memory_space<hbm>> -> memref<128x32xf32, #tpu.memory_space<hbm>>
      tpu.enqueue_dma source(%arg9 : memref<128x32xf32, #tpu.memory_space<vmem>>) target(%dma_start3A_111 : memref<128x32xf32, #tpu.memory_space<hbm>>) target_semaphore(%arg15 : memref<!tpu.dma_semaphore, #tpu.memory_space<semaphore_mem>>)
      %add3A_112 = arith.constant 2 : i32
      %add3A_113 = arith.addi %add3A_81, %add3A_112 : i32
      %lt3A_114 = arith.constant 104 : i32
      %lt3A_115 = arith.cmpi slt, %add3A_113, %lt3A_114 : i32
      %convert_element_type3A_116 = arith.extui %lt3A_115 : i1 to i32
      %cond3A_117 = arith.constant 0 : i32
      %cond3A_118 = arith.cmpi ne, %convert_element_type3A_116, %cond3A_117 : i32
      scf.if %cond3A_118 {
        %add3A_119 = arith.constant 2 : i32
        %add3A_120 = arith.addi %add3A_81, %add3A_119 : i32
        %dma_start3A_121 = arith.constant 0 : i32
        %dma_start3A_122 = tpu.memref_slice %arg7[%add3A_120, %dma_start3A_121] : memref<104x128xi32, #tpu.memory_space<vmem>> -> memref<1x128xi32, #tpu.memory_space<vmem>>
        %dma_start3A_123 = tpu.memref_squeeze %dma_start3A_122 : memref<1x128xi32, #tpu.memory_space<vmem>> -> memref<128xi32, #tpu.memory_space<vmem>>
        %dma_start3A_124 = arith.constant 0 : i32
        %dma_start3A_125 = arith.constant 0 : i32
        %dma_start3A_126 = tpu.memref_slice %arg5[%dma_start3A_124, %dma_start3A_125] : memref<2600000x32xf32, #tpu.memory_space<hbm>> -> memref<2600000x32xf32, #tpu.memory_space<hbm>>
        tpu.enqueue_indirect_dma source(%dma_start3A_126 : memref<2600000x32xf32, #tpu.memory_space<hbm>>) target(%arg9 : memref<128x32xf32, #tpu.memory_space<vmem>>) offsets(%dma_start3A_123 : memref<128xi32, #tpu.memory_space<vmem>>) semaphore(%arg13 : memref<!tpu.dma_semaphore, #tpu.memory_space<semaphore_mem>>)
      } else {
      }
    }
    %scan3A_29 = arith.constant 52 : i32
    %add3A_30 = arith.constant 13056 : i32
    %add3A_31 = arith.addi %mul3A_10, %add3A_30 : i32
    %dma_wait3A = arith.constant 0 : i32
    %dma_wait3A_32 = tpu.memref_slice %arg6[%add3A_31, %dma_wait3A] : memref<425984x32xf32, #tpu.memory_space<hbm>> -> memref<128x32xf32, #tpu.memory_space<hbm>>
    %dma_wait3A_33 = arith.constant 0 : i32
    %dma_wait3A_34 = tpu.memref_slice %arg6[%add3A_31, %dma_wait3A_33] : memref<425984x32xf32, #tpu.memory_space<hbm>> -> memref<128x32xf32, #tpu.memory_space<hbm>>
    tpu.wait_dma2 semaphore(%arg14 : memref<!tpu.dma_semaphore, #tpu.memory_space<semaphore_mem>>) src(%arg8 : memref<128x32xf32, #tpu.memory_space<vmem>>) dst(%dma_wait3A_34 : memref<128x32xf32, #tpu.memory_space<hbm>>)
    %add3A_35 = arith.constant 13184 : i32
    %add3A_36 = arith.addi %mul3A_10, %add3A_35 : i32
    %dma_wait3A_37 = arith.constant 0 : i32
    %dma_wait3A_38 = tpu.memref_slice %arg6[%add3A_36, %dma_wait3A_37] : memref<425984x32xf32, #tpu.memory_space<hbm>> -> memref<128x32xf32, #tpu.memory_space<hbm>>
    %dma_wait3A_39 = arith.constant 0 : i32
    %dma_wait3A_40 = tpu.memref_slice %arg6[%add3A_36, %dma_wait3A_39] : memref<425984x32xf32, #tpu.memory_space<hbm>> -> memref<128x32xf32, #tpu.memory_space<hbm>>
    tpu.wait_dma2 semaphore(%arg15 : memref<!tpu.dma_semaphore, #tpu.memory_space<semaphore_mem>>) src(%arg9 : memref<128x32xf32, #tpu.memory_space<vmem>>) dst(%dma_wait3A_40 : memref<128x32xf32, #tpu.memory_space<hbm>>)
    return
  }
}

</mosaic_0001>

<sc_bundles>
// kernel: _tokenize.4.cloned.1.call-start
scs
__scs_entry_jumppad:
0x0: {  	(pc) =	sbr.rel $0x88, $3  }
0x1: {  	(tag) =	ssettag $0x0;
	lr =	simm.s32 $0x1  }
0x2: {  	[smem:$0x3F9C] =	sst lr;
	_ =	strace $0xD0000000  }
0x3: {  	_ = 	snop  }
0x4: {  	_ = 	snop  }
0x5: {  	_ = 	snop  }
0x6: {  	_ = 	snop  }
0x7: {  	_ = 	snop  }
__scs_overlays_trampoline_lowered:
0x8: {  	[smem:$0x3FAB] =	sst s0  }
0x9: {  	[smem:$0x3FAC] =	sst s1  }
0xa: {  	[smem:$0x3FAD] =	sst s2  }
0xb: {  	[smem:$0x3FAE] =	sst s3  }
0xc: {  	[smem:$0x3FAF] =	sst s4  }
0xd: {  	[smem:$0x3FB0] =	sst s5  }
0xe: {  	[smem:$0x3FB1] =	sst s6  }
0xf: {  	[smem:$0x3FB2] =	sst s7  }
0x10: {  	[smem:$0x3FB3] =	sst s8  }
0x11: {  	[smem:$0x3FB4] =	sst s9;
	s0 =	simm.s32 @!p0 $0x0  }
0x12: {  	s1 =	sld [smem:$0x3F9A];
	s0 =	simm.s32 @p0 $0x1  }
0x13: {  	[smem:$0x3FB5] =	sst s0;
	s0 =	simm.s32 @!p1 $0x0  }
0x14: {  	s2 =	sld [smem:$0x3F99];
	s0 =	simm.s32 @p1 $0x1  }
0x15: {  	[smem:$0x3FB6] =	sst s0;
	s0 =	simm.s32 @!p2 $0x0  }
0x16: {  	s3 =	sld [smem:$0x3FDB];
	s0 =	simm.s32 @p2 $0x1  }
0x17: {  	s4 =	simm.s32 $0x1BF5;
	[smem:$0x3FB8] =	sst s0  }
0x18: {  	s0 =	sld [smem:$0x3F9B];
	_ =	swait.ge [sflag:s4], $0x0  }
0x19: {  	s7 =	sld [smem:$0x3F9C]  }
0x1a: {  	s8 =	sadd.s32 $0xFFFFE003, lr  }
0x1b: {  	s9 =	sadd.s32 $0xFFFFFEF7, lr;
	s5 =	simm.s32 $0xFFFFFFFF;
	p2 =	slt.u32 s8, $0xFFFFF086  }
0x1c: {  	p1 =	slt.u32 s9, $0xF7A;
	s5 =	simm.s32 @!p2 $0x0  }
0x1d: {  	s5 =	simm.s32 @p1 $0x1;
	p0 =	seq.s32 s7, s2  }
0x1e: {  	s7 =	smul.u32 @!p0 $0xF7A, s2;
	p2 =	seq.s32 @!p0 s5, $0x0  }
0x1f: {  	s9 =	smul.u32 $0xF7A, s1;
	s8 =	simm.s32 @!p0 $0x1BF5;
	p2 =	por !p2, p0  }
0x20: {  	[sflag:s8] =	ssyncset.s32 @!p0 $0xFFFFF086;
	s6 =	sadd.s32 @!p0 s3, s7;
	s7 =	simm.s32 @!p0 $0x108  }
0x21: {  	s3 =	sadd.s32 s3, s9;
	s6 =	sadd.s32 @!p0 $0x88, s6;
	s7 =	simm.s32 @p2 $0x1082  }
0x22: {  	[simem:s7], [sflag:s8] =	dma.local @!p0 [hbm:s6], $0xF7A  }
0x23: {  	s9 =	sor.u32 $0xD0000000, s2;
	s6 =	simm.s32 $0x108;
	_ =	swait.ge @!p0 [sflag:s8], $0x0  }
0x24: {  	s3 =	sadd.s32 $0x88, s3;
	s6 =	simm.s32 @!p1 $0x1082;
	[sflag:s4] =	ssyncset.s32 $0xFFFFF086  }
0x25: {  	[simem:s6], [sflag:s4] =	dma.local [hbm:s3], $0xF7A  }
0x26: {  	[smem:$0x3F9C] =	sst s1;
	(tag) =	ssettag s2;
	_ =	strace s9  }
0x27: {  	s1 =	sld [smem:$0x3FAC]  }
0x28: {  	s2 =	sld [smem:$0x3FAD]  }
0x29: {  	s4 =	sld [smem:$0x3FAF]  }
0x2a: {  	p0 =	seq.s32 s5, $0x0;
	s5 =	sld [smem:$0x3FB0]  }
0x2b: {  	s6 =	sld [smem:$0x3FB1]  }
0x2c: {  	s7 =	sld [smem:$0x3FB2]  }
0x2d: {  	s3 =	simm.s32 $0x108;
	s8 =	sld [smem:$0x3FB3]  }
0x2e: {  	s3 =	simm.s32 @!p0 $0x1082;
	s9 =	sld [smem:$0x3FB4]  }
0x2f: {  	lr =	sadd.s32 s0, s3;
	s0 =	sld [smem:$0x3FAB]  }
0x30: {  	s3 =	sld [smem:$0x3FAE]  }
0x31: {  	[smem:$0x3FB7] =	sst s10  }
0x32: {  	s10 =	sld [smem:$0x3FB5];
	_ =	sdelay $0x3  }
0x33: {  	p0 =	seq.s32 s10, $0x1;
	s10 =	sld [smem:$0x3FB7];
	_ =	sdelay $0x3  }
0x34: {  	[smem:$0x3FB7] =	sst s10  }
0x35: {  	s10 =	sld [smem:$0x3FB6];
	_ =	sdelay $0x3  }
0x36: {  	p1 =	seq.s32 s10, $0x1;
	s10 =	sld [smem:$0x3FB7];
	_ =	sdelay $0x3  }
0x37: {  	[smem:$0x3FB7] =	sst s10  }
0x38: {  	s10 =	sld [smem:$0x3FB8]  }
0x39: {  	_ = 	snop;
	(pc) =	sbr.ind lr, $3  }
0x3a: {  	_ = 	snop  }
0x3b: {  	_ = 	snop  }
0x3c: {  	p2 =	seq.s32 s10, $0x1;
	s10 =	sld [smem:$0x3FB7]  }
0x3d: {  	_ =	shalt  }
0x3e: {  	_ =	shalt  }
0x3f: {  	_ =	shalt  }
0x40: {  	_ =	shalt  }
0x41: {  	_ =	shalt  }
0x42: {  	_ =	shalt  }
0x43: {  	_ =	shalt  }
0x44: {  	_ =	shalt  }
0x45: {  	_ =	shalt  }
0x46: {  	_ =	shalt  }
0x47: {  	_ =	shalt  }
0x48: {  	_ =	shalt  }
0x49: {  	_ =	shalt  }
0x4a: {  	_ =	shalt  }
0x4b: {  	_ =	shalt  }
0x4c: {  	_ =	shalt  }
0x4d: {  	_ =	shalt  }
0x4e: {  	_ =	shalt  }
0x4f: {  	_ =	shalt  }
0x50: {  	_ =	shalt  }
0x51: {  	_ =	shalt  }
0x52: {  	_ =	shalt  }
0x53: {  	_ =	shalt  }
0x54: {  	_ =	shalt  }
0x55: {  	_ =	shalt  }
0x56: {  	_ =	shalt  }
0x57: {  	_ =	shalt  }
0x58: {  	_ =	shalt  }
0x59: {  	_ =	shalt  }
0x5a: {  	_ =	shalt  }
0x5b: {  	_ =	shalt  }
0x5c: {  	_ =	shalt  }
0x5d: {  	_ =	shalt  }
0x5e: {  	_ =	shalt  }
0x5f: {  	_ =	shalt  }
0x60: {  	_ =	shalt  }
0x61: {  	_ =	shalt  }
0x62: {  	_ =	shalt  }
0x63: {  	_ =	shalt  }
0x64: {  	_ =	shalt  }
0x65: {  	_ =	shalt  }
0x66: {  	_ =	shalt  }
0x67: {  	_ =	shalt  }
0x68: {  	_ =	shalt  }
0x69: {  	_ =	shalt  }
0x6a: {  	_ =	shalt  }
0x6b: {  	_ =	shalt  }
0x6c: {  	_ =	shalt  }
0x6d: {  	_ =	shalt  }
0x6e: {  	_ =	shalt  }
0x6f: {  	_ =	shalt  }
0x70: {  	_ =	shalt  }
0x71: {  	_ =	shalt  }
0x72: {  	_ =	shalt  }
0x73: {  	_ =	shalt  }
0x74: {  	_ =	shalt  }
0x75: {  	_ =	shalt  }
0x76: {  	_ =	shalt  }
0x77: {  	_ =	shalt  }
0x78: {  	_ =	shalt  }
0x79: {  	_ =	shalt  }
0x7a: {  	_ =	shalt  }
0x7b: {  	_ =	shalt  }
0x7c: {  	_ =	shalt  }
0x7d: {  	_ =	shalt  }
0x7e: {  	_ =	shalt  }
0x7f: {  	_ =	shalt  }
0x80: {  	_ =	shalt  }
0x81: {  	_ =	shalt  }
0x82: {  	_ =	shalt  }
0x83: {  	_ =	shalt  }
0x84: {  	_ =	shalt  }
0x85: {  	_ =	shalt  }
0x86: {  	_ =	shalt  }
0x87: {  	_ =	shalt  }
.Lfunc_end0:
.L_simem_size_0:
called_computation.1_lowered:
.L_overlay_start_0:
0x88: {  	s2 =	sld [smem:$0x3FD9]  }
0x89: {  	s3 =	sld [smem:$0x3FFE];
	_ =	sdelay $0x1  }
0x8a: {  	s1 =	srdreg.scid  }
0x8b: {  	s0 =	sand.u32 $0x1, s1  }
0x8c: {  	s17 =	sshll.u32 s0, $0xA;
	s2 =	sadd.s32 s3, s2  }
0x8d: {  	s2 =	sadd.s32 s2, s17  }
0x8e: {  	[smem:$0x3FC3] =	sst s2  }
0x8f: {  	_ = 	snop  }
0x90: {  	s2 =	sld [smem:$0x3FC6]  }
0x91: {  	s18 =	sld [smem:$0x3FC5];
	(tm) =	ssettm $0x1  }
0x92: {  	s4 =	sld [smem:$0x3FFB];
	_ =	sdelay $0x3  }
0x93: {  	_ =	strace s4  }
0x94: {  	s4 =	sld [smem:$0x3FFC];
	_ =	sdelay $0x3  }
0x95: {  	_ =	strace s4  }
0x96: {  	s4 =	sld [smem:$0x3FFD];
	_ =	sdelay $0x3  }
0x97: {  	_ =	strace s4  }
0x98: {  	_ =	strace $0x8FFFFFFF  }
0x99: {  	s19 =	sld [smem:$0x3FDB];
	_ =	sdelay $0x1  }
0x9a: {  	s5 =	simm.s32 $_scs_section_size  }
0x9b: {  	s6 =	simm.s32 $_size__tile_overlayer_lowered;
	s7 =	simm.s32 $_tile_overlayer_lowered  }
0x9c: {  	s22 =	simm.s32 $0x1BFF;
	s21 =	sshll.u32 s7, $0x1;
	s4 =	sadd.s32 s5, s19  }
0x9d: {  	s8 =	simm.s32 $0x0;
	s20 =	sshll.u32 s6, $0x1;
	s6 =	sadd.s32 s21, s4  }
0x9e: {  	[timem:s8], [sflag:s22] =	dma.local [hbm:s6], s20  }
0x9f: {  	_ =	swait.ge [sflag:s22], s20  }
0xa0: {  	s5 =	ssub.s32 $0x0, s20;
	[sflag:s22] =	ssyncset.done $0x0  }
0xa1: {  	[sflag:s22] =	ssyncadd.s32 s5;
	_ =	sdelay $0x1  }
0xa2: {  	s23 =	simm.s32 $0x1B8B  }
0xa3: {  	_ =	swait.ge [sflag:s23], $0x1  }
0xa4: {  	[sflag:s23] =	ssyncset.done $0x0  }
0xa5: {  	s25 =	simm.s32 $0x1B8E;
	s24 =	sld [smem:$0x3FFE];
	[sflag:s23] =	ssyncadd.s32 $0xFFFFFFFF  }
0xa6: {  	s26 =	simm.s32 $execute0_lowered;
	[smem:$0x3FD2] =	sst s25  }
0xa7: {  	s6 =	sshll.u32 s26, $0x1;
	_ =	strace $0x80000046;
	[dreg:$0x1] =	wrdreg $0xFFFFFFFF  }
0xa8: {  	s28 =	simm.s32 $_size_execute0_lowered;
	s4 =	sadd.s32 s4, s6;
	[dreg:$0x0] =	wrdreg $0x0  }
0xa9: {  	s6 =	sshll.u32 s28, $0x1;
	[dreg:$0x2] =	wrdreg s4  }
0xaa: {  	[dreg:$0x3] =	wrdreg s6  }
0xab: {  	[dreg:$0x4] =	wrdreg $0xC0  }
0xac: {  	_ =	task [dreg:s8], $0x5FFFF  }
0xad: {  	[dreg:$0x1] =	wrdreg $0xFFFFFFFF  }
0xae: {  	[dreg:$0x0] =	wrdreg $0x60  }
0xaf: {  	[dreg:$0x2] =	wrdreg s2  }
0xb0: {  	[dreg:$0x3] =	wrdreg s18  }
0xb1: {  	[dreg:$0x4] =	wrdreg s24  }
0xb2: {  	[dreg:$0x5] =	wrdreg $0x9  }
0xb3: {  	_ =	task.clear_ibuf [dreg:s8], $0x6FFFF;
	_ =	strace $0x90000046  }
0xb4: {  	s29 =	simm.s32 $0x9;
	_ =	strace $0x80000048  }
0xb5: {  	_ =	swait.ge [sflag:s29], $0x1  }
0xb6: {  	[sflag:s29] =	ssyncadd.s32 $0xFFFFFFFF  }
0xb7: {  	_ =	strace $0x90000048  }
0xb8: {  	_ =	sfence  }
0xb9: {  	s30 =	sld [smem:$0x0];
	_ =	sdelay $0x2  }
0xba: {  	s31 =	sshll.u32 s1, $0xD;
	s1 =	sshrl.u32 s1, $0x2  }
0xbb: {  	s3 =	sand.u32 $0x4000, s31;
	s1 =	sadd.s32 s1, s30  }
0xbc: {  	s0 =	sor.u32 s3, s0;
	s1 =	sshll.u32 s1, $0x11  }
0xbd: {  	s0 =	sor.u32 s1, s0  }
0xbe: {  	s0 =	sadd.s32 $0x8F2B, s0  }
0xbf: {  	[sflag:s0] =	ssyncadd.remote.s32 $0x1  }
0xc0: {  	_ =	sfence.sel $0xFFFF  }
0xc1: {  	[dreg:$0x0] =	wrdreg $0xFFFFFFFF;
	(pc) =	sbr.abs _section_cstart, $3  }
0xc2: {  	[dreg:$0x1] =	wrdreg $0xFFFFFFFF  }
0xc3: {  	_ =	task.clear_ibuf [dreg:s8], $0x2FFFF;
	_ =	strace $0x9FFFFFFF  }
0xc4: {  	(tm) =	ssettm $0x7FFFFFFF  }
0xc5: {  	_ =	shalt  }
tec
execute0_lowered:
.L_overlay_start_1:
0x0: {  	(tag) =	ssettag $0x1  }
0x1: {  	s1 =	rddreg [dreg:$0x0]  }
0x2: {  	s3 =	rddreg [dreg:$0x1];
	s2 =	srdreg.scid  }
0x3: {  	s0 =	stileid.u32;
	s13 =	rddreg [dreg:$0x2]  }
0x4: {  	s4 =	simm.s32 $0x0;
	s14 =	simm.s32 $0x1C00;
	s15 =	simm.s32 $0x13D6400  }
0x5: {  	s16 =	simm.s32 $0x7000;
	s17 =	simm.s32 $0x1;
	s18 =	simm.s32 $0xE000  }
0x6: {  	s19 =	simm.s32 $0x2;
	s20 =	simm.s32 $0x15000;
	s21 =	simm.s32 $0x3  }
0x7: {  	s22 =	simm.s32 $0x4;
	s23 =	simm.s32 $0x0;
	s2 =	sand.u32 $0x1, s2  }
0x8: {  	s5 =	sshll.u32 s0, $0x1;
	[smem:$0x7FF] =	sst s4;
	s6 =	sadd.s32 $0xC00, s13  }
.Ltmp0:
0x9: {  	s11 =	sadd.s32 $0x9EBC00, s13;
	s5 =	sor.u32 s2, s5;
	(pc) =	sbr.rel .LBB2_1-.Ltmp0, $4  }
0xa: {  	s13 =	sadd.s32 $0x1CC00, s13;
	s2 =	ssub.s32 $0x2, s2;
	s7 =	smul.u32 $0x380, s5  }
0xb: {  	v0 =	vlaneseq.u32;
	_ =	strace $0x80000047;
	s8 =	sshrl.u32 s2, $0x1;
	s9 =	sor.u32 $0x40, s5  }
0xc: {  	v1 =	vand.u32 $0x7, v0;
	s10 =	sor.u32 $0x60, s5;
	s2 =	ssub.s32 s2, s8;
	s7 =	sadd.s32 s1, s7  }
0xd: {  	v1 =	vmul.u32 $0x80, v1;
	p0 =	sne.s32 s5, $0x0;
	s12 =	smax.u32 s2, $0x1;
	s8 =	sadd.s32 $0x7000, s7  }
.LBB2_12:
0xe: {  	_ =	swait.ge [sflag:s21], $0x7000  }
0xf: {  	[sflag:s21] =	ssyncset.done $0x0  }
0x10: {  	[sflag:s21] =	ssyncadd.s32 $0xFFFF9000  }
0x11: {  	_ =	swait.ge [sflag:s22], $0x7000  }
0x12: {  	s0 =	simm.s32 @!p0 $0x0;
	[sflag:s22] =	ssyncset.done $0x0  }
0x13: {  	s2 =	simm.s32 @!p0 $0x1C000;
	s24 =	simm.s32 @!p0 $0x5;
	[sflag:s22] =	ssyncadd.s32 $0xFFFF9000  }
0x14: {  	[tilespmem:s2], [sflag:$0x5] =	stream.linear.gather @!p0 [hbm4b:s3+s0], $0x800, $0x38;
	[tilespmem:$0x1C800] =	vst v63  }
0x15: {  	s23 =	sadd.s32 $0x1, s23;
	_ =	swait.ge @!p0 [sflag:s24], $0x800  }
0x16: {  	p1 =	sne.s32 s23, s12;
	[sflag:s24] =	ssyncset.done @!p0 $0x0  }
.Ltmp1:
0x17: {  	[sflag:s24] =	ssyncadd.s32 @!p0 $0xFFFFF800;
	(pc) =	sbr.rel @!p1 .LBB2_13-.Ltmp1, $4  }
0x18: {  	[hbm4b:s11+s0] =	stream.linear.scatter @!p0 [tilespmem:s2], [sflag:$0x5], $0x800, $0x38;
	[tilespmem:$0x1C800] =	vst v63  }
0x19: {  	_ =	swait.ge @!p0 [sflag:s24], $0x800  }
0x1a: {  	[sflag:s24] =	ssyncset.done @!p0 $0x0  }
0x1b: {  	[sflag:s24] =	ssyncadd.s32 @!p0 $0xFFFFF800  }
.LBB2_1:
0x1c: {  	[tilespmem:s4], [sflag:$0x1] =	stream.strided.gather [hbm4b:s7+s14], $0x7000, s15, s14, $0x38;
	[tilespmem:$0x1C800] =	vst v63  }
0x1d: {  	s24 =	simm.s32 $0x0  }
0x1e: {  	[tilespmem:s16], [sflag:$0x2] =	stream.strided.gather [hbm4b:s8+s14], $0x7000, s15, s14, $0x38;
	[tilespmem:$0x1C800] =	vst v63  }
.LBB2_2:
0x1f: {  	s25 =	sshll.u32 s24, $0x6;
	_ =	swait.ge [sflag:s17], $0x7000  }
0x20: {  	p1 =	seq.s32 s24, $0x0;
	s2 =	sor.u32 s5, s25;
	[sflag:s17] =	ssyncset.done $0x0  }
0x21: {  	s26 =	smul.u32 $0x380, s2;
	[sflag:s17] =	ssyncadd.s32 $0xFFFF9000;
	s2 =	simm.s32 @!p1 $0x3  }
0x22: {  	_ =	swait.ge @!p1 [sflag:s2], $0x7000  }
0x23: {  	s29 =	simm.s32 $0x0;
	[sflag:s2] =	ssyncset.done @!p1 $0x0  }
0x24: {  	s30 =	simm.s32 $0x0;
	s28 =	smin.u32 s26, $0x27A880;
	[sflag:s2] =	ssyncadd.s32 @!p1 $0xFFFF9000  }
.LBB2_3:
0x25: {  	s2 =	sshll.u32 s30, $0x4;
	s31 =	simm.s32 $0x7;
	v6 =	vadd.s32 s29, v0  }
0x26: {  	s0 =	simm.s32 $0x6;
	v3 =	vor.u32 s2, v0;
	v5 =	vmov s2;
	v7 =	vadd.s32 s31, v0  }
0x27: {  	v6 =	vand.u32 $0x1F, v6;
	v13 =	vadd.s32 s0, v0;
	v2 =	vshll.u32 v3, $0x5  }
0x28: {  	v3 =	vand.u32 $0x7F, v3;
	v4 =	vand.u32 $0x1F, v7;
	v5 =	vshll.u32 v5, $0x3  }
0x29: {  	s0 =	simm.s32 $0x5;
	v9 =	vshrl.u32 v6, $0x3;
	v7 =	vshll.u32 v7, $0x7;
	v8 =	vshrl.u32 v4, $0x3  }
0x2a: {  	v14 =	vadd.s32 s0, v0;
	v5 =	vand.u32 $0x1C00, v5;
	v8 =	vmul.u32 $0x1C00, v8  }
0x2b: {  	v9 =	vmul.u32 $0x1C00, v9;
	v11 =	vand.u32 $0x380, v7;
	v10 =	vor.u32 v3, v5  }
0x2c: {  	v7 =	vor.u32 v1, v10;
	v12 =	vadd.s32 v5, v8;
	v8 =	vand.u32 $0x1F, v13  }
0x2d: {  	s0 =	simm.s32 $0x3;
	v10 =	vor.u32 v11, v12;
	v12 =	vadd.s32 v7, v9;
	v9 =	vshrl.u32 v8, $0x3  }
0x2e: {  	s31 =	simm.s32 $0x4;
	v19 =	vadd.s32 s0, v0;
	v11 =	vor.u32 v3, v10;
	v15 =	vmul.u32 $0x1C00, v9  }
0x2f: {  	v9 =	vshll.u32 v13, $0x7;
	v13 =	vadd.s32 s31, v0;
	v10 =	vand.u32 $0x1F, v14  }
0x30: {  	v16 =	vand.u32 $0x380, v9;
	v9 =	vand.u32 $0x1F, v13;
	v17 =	vshrl.u32 v10, $0x3  }
0x31: {  	v15 =	vadd.s32 v5, v15;
	v18 =	vshrl.u32 v9, $0x3;
	v17 =	vmul.u32 $0x1C00, v17  }
0x32: {  	v13 =	vshll.u32 v13, $0x7;
	v15 =	vor.u32 v16, v15;
	v16 =	vmul.u32 $0x1C00, v18  }
0x33: {  	v18 =	vshll.u32 v14, $0x7;
	v14 =	vor.u32 v3, v15;
	v15 =	vadd.s32 v5, v17  }
0x34: {  	v17 =	vand.u32 $0x380, v18;
	v18 =	vand.u32 $0x380, v13;
	v16 =	vadd.s32 v5, v16  }
0x35: {  	v13 =	vand.u32 $0x1F, v19;
	v19 =	vshll.u32 v19, $0x7;
	v16 =	vor.u32 v18, v16  }
0x36: {  	s31 =	simm.s32 $0x2;
	v17 =	vor.u32 v17, v15;
	v18 =	vshrl.u32 v13, $0x3;
	v15 =	vor.u32 v3, v16  }
0x37: {  	s2 =	simm.s32 $0x1;
	v16 =	vor.u32 v3, v17;
	v17 =	vadd.s32 s31, v0;
	v18 =	vmul.u32 $0x1C00, v18;
	s31 =	simm.s32 $0x8  }
.LBB2_4:
0x38: {  	p2 =	slt.u32 s31, $0x18;
	v20 =	vadd.s32 s2, v0;
	v21 =	vand.u32 $0x1F, v17;
	v19 =	vand.u32 $0x380, v19  }
0x39: {  	v22 =	vand.u32 $0x1F, v20;
	v23 =	vshrl.u32 v21, $0x3;
	v18 =	vadd.s32 v5, v18  }
0x3a: {  	v24 =	vshrl.u32 v22, $0x3;
	v23 =	vmul.u32 $0x1C00, v23;
	v18 =	vor.u32 v19, v18  }
0x3b: {  	v17 =	vshll.u32 v17, $0x7;
	v19 =	vmul.u32 $0x1C00, v24;
	v18 =	vor.u32 v3, v18  }
0x3c: {  	v20 =	vshll.u32 v20, $0x7;
	v17 =	vand.u32 $0x380, v17;
	v23 =	vadd.s32 v5, v23  }
0x3d: {  	v20 =	vand.u32 $0x380, v20;
	v12 =	vld.idx.msk [tilespmem:v12+s4+$0x0], $0xffff;
	v19 =	vadd.s32 v5, v19;
	v17 =	vor.u32 v17, v23  }
0x3e: {  	v23 =	vor.u32 v2, v6;
	v6 =	vor.u32 v20, v19;
	v17 =	vor.u32 v3, v17;
	v11 =	vld.idx.msk [tilespmem:v11+s4+$0x0], $0xffff  }
0x3f: {  	s2 =	sadd.s32 $0x7, s31;
	v20 =	vor.u32 v2, v4;
	v19 =	vor.u32 v3, v6;
	v14 =	vld.idx.msk [tilespmem:v14+s4+$0x0], $0xffff  }
0x40: {  	v8 =	vor.u32 v2, v8;
	v24 =	vadd.s32 s2, v0;
	v4 =	vadd.s32 s31, v0;
	v16 =	vld.idx.msk [tilespmem:v16+s4+$0x0], $0xffff  }
0x41: {  	v10 =	vor.u32 v2, v10;
	v6 =	vand.u32 $0x1F, v4;
	v4 =	vand.u32 $0x1F, v24;
	v15 =	vld.idx.msk [tilespmem:v15+s4+$0x0], $0xffff  }
0x42: {  	v9 =	vor.u32 v2, v9;
	v25 =	vshrl.u32 v6, $0x3;
	v26 =	vshrl.u32 v4, $0x3;
	v18 =	vld.idx.msk [tilespmem:v18+s4+$0x0], $0xffff  }
0x43: {  	v13 =	vor.u32 v2, v13;
	v24 =	vshll.u32 v24, $0x7;
	v26 =	vmul.u32 $0x1C00, v26;
	[tilespmem:v23+s18+$0x0] =	vst.idx.msk $0xffff, v12;
	v17 =	vld.idx.msk [tilespmem:v17+s4+$0x0], $0xffff  }
0x44: {  	v21 =	vor.u32 v2, v21;
	s2 =	sadd.s32 $0x6, s31;
	v12 =	vmul.u32 $0x1C00, v25;
	v23 =	vand.u32 $0x380, v24;
	v19 =	vld.idx.msk [tilespmem:v19+s4+$0x0], $0xffff;
	[tilespmem:v20+s18+$0x0] =	vst.idx.msk $0xffff, v11  }
0x45: {  	v22 =	vor.u32 v2, v22;
	v20 =	vadd.s32 s2, v0;
	v11 =	vadd.s32 v5, v26;
	[tilespmem:v8+s18+$0x0] =	vst.idx.msk $0xffff, v14  }
0x46: {  	v8 =	vand.u32 $0x1F, v20;
	v11 =	vor.u32 v23, v11;
	[tilespmem:v10+s18+$0x0] =	vst.idx.msk $0xffff, v16  }
0x47: {  	s2 =	sadd.s32 $0x5, s31;
	v12 =	vadd.s32 v7, v12;
	v10 =	vshrl.u32 v8, $0x3;
	v11 =	vor.u32 v3, v11;
	[tilespmem:v9+s18+$0x0] =	vst.idx.msk $0xffff, v15  }
0x48: {  	s0 =	sadd.s32 $0x4, s31;
	v14 =	vadd.s32 s2, v0;
	v15 =	vmul.u32 $0x1C00, v10;
	v9 =	vshll.u32 v20, $0x7;
	[tilespmem:v13+s18+$0x0] =	vst.idx.msk $0xffff, v18  }
0x49: {  	v10 =	vand.u32 $0x1F, v14;
	v13 =	vadd.s32 s0, v0;
	v16 =	vand.u32 $0x380, v9;
	[tilespmem:v21+s18+$0x0] =	vst.idx.msk $0xffff, v17  }
0x4a: {  	v9 =	vand.u32 $0x1F, v13;
	v17 =	vshrl.u32 v10, $0x3;
	v15 =	vadd.s32 v5, v15;
	[tilespmem:v22+s18+$0x0] =	vst.idx.msk $0xffff, v19  }
0x4b: {  	v18 =	vshrl.u32 v9, $0x3;
	v17 =	vmul.u32 $0x1C00, v17;
	v15 =	vor.u32 v16, v15  }
0x4c: {  	v16 =	vmul.u32 $0x1C00, v18;
	v18 =	vshll.u32 v14, $0x7;
	v14 =	vor.u32 v3, v15  }
.Ltmp2:
0x4d: {  	s0 =	sadd.s32 $0x3, s31;
	v13 =	vshll.u32 v13, $0x7;
	v15 =	vadd.s32 v5, v17;
	v17 =	vand.u32 $0x380, v18;
	(pc) =	sbr.rel @p2 .LBB2_4-.Ltmp2, $4  }
0x4e: {  	v19 =	vadd.s32 s0, v0;
	v18 =	vand.u32 $0x380, v13;
	v16 =	vadd.s32 v5, v16  }
0x4f: {  	v13 =	vand.u32 $0x1F, v19;
	v17 =	vor.u32 v17, v15;
	v16 =	vor.u32 v18, v16  }
0x50: {  	s0 =	sadd.s32 $0x2, s31;
	v18 =	vshrl.u32 v13, $0x3;
	v15 =	vor.u32 v3, v16;
	v16 =	vor.u32 v3, v17  }
0x51: {  	s2 =	sadd.s32 $0x1, s31;
	s31 =	sadd.s32 $0x8, s31;
	v19 =	vshll.u32 v19, $0x7;
	v17 =	vadd.s32 s0, v0;
	v18 =	vmul.u32 $0x1C00, v18  }
0x52: {  	v7 =	vadd.s32 s2, v0  }
0x53: {  	v20 =	vand.u32 $0x1F, v17;
	v19 =	vand.u32 $0x380, v19;
	v56 =	vshll.u32 v17, $0x7  }
0x54: {  	v6 =	vor.u32 v2, v6;
	v21 =	vand.u32 $0x1F, v7;
	v22 =	vshrl.u32 v20, $0x3  }
0x55: {  	v18 =	vadd.s32 v5, v18;
	v23 =	vshrl.u32 v21, $0x3;
	v22 =	vmul.u32 $0x1C00, v22  }
0x56: {  	v7 =	vshll.u32 v7, $0x7;
	v17 =	vand.u32 $0x380, v56;
	v55 =	vmul.u32 $0x1C00, v23  }
0x57: {  	v18 =	vor.u32 v19, v18;
	v7 =	vand.u32 $0x380, v7;
	v22 =	vadd.s32 v5, v22  }
0x58: {  	v12 =	vld.idx.msk [tilespmem:v12+s4+$0x0], $0xffff;
	v18 =	vor.u32 v3, v18;
	v57 =	vadd.s32 v5, v55;
	v17 =	vor.u32 v17, v22  }
0x59: {  	v11 =	vld.idx.msk [tilespmem:v11+s4+$0x0], $0xffff;
	v4 =	vor.u32 v2, v4;
	v5 =	vor.u32 v7, v57;
	v58 =	vor.u32 v3, v17  }
0x5a: {  	v59 =	vld.idx.msk [tilespmem:v14+s4+$0x0], $0xffff;
	v8 =	vor.u32 v2, v8;
	v3 =	vor.u32 v3, v5  }
0x5b: {  	v60 =	vld.idx.msk [tilespmem:v16+s4+$0x0], $0xffff;
	v10 =	vor.u32 v2, v10  }
0x5c: {  	v15 =	vld.idx.msk [tilespmem:v15+s4+$0x0], $0xffff;
	v9 =	vor.u32 v2, v9  }
0x5d: {  	v62 =	vor.u32 v2, v13;
	[tilespmem:v6+s18+$0x0] =	vst.idx.msk $0xffff, v12;
	v61 =	vld.idx.msk [tilespmem:v18+s4+$0x0], $0xffff  }
0x5e: {  	s30 =	sadd.s32 $0x1, s30;
	v63 =	vor.u32 v2, v20;
	[tilespmem:v4+s18+$0x0] =	vst.idx.msk $0xffff, v11;
	v7 =	vld.idx.msk [tilespmem:v58+s4+$0x0], $0xffff  }
0x5f: {  	p2 =	sne.s32 s30, $0x38;
	v2 =	vor.u32 v2, v21;
	[tilespmem:v8+s18+$0x0] =	vst.idx.msk $0xffff, v59;
	v3 =	vld.idx.msk [tilespmem:v3+s4+$0x0], $0xffff  }
.Ltmp3:
0x60: {  	[tilespmem:v10+s18+$0x0] =	vst.idx.msk $0xffff, v60;
	(pc) =	sbr.rel @p2 .LBB2_3-.Ltmp3, $4  }
0x61: {  	[tilespmem:v9+s18+$0x0] =	vst.idx.msk $0xffff, v15  }
0x62: {  	[tilespmem:v62+s18+$0x0] =	vst.idx.msk $0xffff, v61  }
0x63: {  	[tilespmem:v63+s18+$0x0] =	vst.idx.msk $0xffff, v7  }
0x64: {  	[tilespmem:v2+s18+$0x0] =	vst.idx.msk $0xffff, v3  }
0x65: {  	p2 =	seq.s32 s24, $0x2D  }
0x66: {  	s0 =	sshll.u32 s28, $0x2;
	s2 =	sadd.s32 @!p2 s9, s25  }
0x67: {  	s0 =	sadd.s32 s6, s0;
	s2 =	smul.u32 @!p2 $0x380, s2  }
0x68: {  	[hbm4b:s0+s4] =	stream.linear.scatter [tilespmem:s18], [sflag:$0x3], $0x7000, $0x38;
	[tilespmem:$0x1C800] =	vst v63  }
0x69: {  	s28 =	simm.s32 @!p2 $0x13D6400;
	s0 =	smin.u32 @!p2 s2, $0x27A880  }
0x6a: {  	s29 =	simm.s32 @!p2 $0x0;
	s2 =	simm.s32 @!p2 $0x1C00;
	s0 =	sadd.s32 @!p2 s1, s0  }
0x6b: {  	[tilespmem:s29], [sflag:$0x1] =	stream.strided.gather @!p2 [hbm4b:s0+s2], $0x7000, s28, s2, $0x38;
	[tilespmem:$0x1C800] =	vst v63  }
0x6c: {  	_ =	swait.ge [sflag:s19], $0x7000  }
0x6d: {  	[sflag:s19] =	ssyncset.done $0x0  }
0x6e: {  	s0 =	simm.s32 @!p1 $0x4;
	[sflag:s19] =	ssyncadd.s32 $0xFFFF9000  }
0x6f: {  	_ =	swait.ge @!p1 [sflag:s0], $0x7000  }
0x70: {  	s26 =	smin.u32 s26, $0x273880;
	[sflag:s0] =	ssyncset.done @!p1 $0x0  }
0x71: {  	s28 =	simm.s32 $0x0;
	s29 =	simm.s32 $0x0;
	[sflag:s0] =	ssyncadd.s32 @!p1 $0xFFFF9000  }
.LBB2_7:
0x72: {  	s0 =	sshll.u32 s29, $0x4;
	s2 =	simm.s32 $0x7;
	v6 =	vadd.s32 s28, v0  }
0x73: {  	s31 =	simm.s32 $0x6;
	v3 =	vor.u32 s0, v0;
	v5 =	vmov s0;
	v7 =	vadd.s32 s2, v0  }
0x74: {  	v6 =	vand.u32 $0x1F, v6;
	v13 =	vadd.s32 s31, v0;
	v2 =	vshll.u32 v3, $0x5  }
0x75: {  	v3 =	vand.u32 $0x7F, v3;
	v4 =	vand.u32 $0x1F, v7;
	v5 =	vshll.u32 v5, $0x3  }
0x76: {  	s2 =	simm.s32 $0x5;
	v9 =	vshrl.u32 v6, $0x3;
	v7 =	vshll.u32 v7, $0x7;
	v8 =	vshrl.u32 v4, $0x3  }
0x77: {  	v14 =	vadd.s32 s2, v0;
	v5 =	vand.u32 $0x1C00, v5;
	v8 =	vmul.u32 $0x1C00, v8  }
0x78: {  	v9 =	vmul.u32 $0x1C00, v9;
	v11 =	vand.u32 $0x380, v7;
	v10 =	vor.u32 v3, v5  }
0x79: {  	v7 =	vor.u32 v1, v10;
	v12 =	vadd.s32 v5, v8;
	v8 =	vand.u32 $0x1F, v13  }
0x7a: {  	s2 =	simm.s32 $0x3;
	v10 =	vor.u32 v11, v12;
	v12 =	vadd.s32 v7, v9;
	v9 =	vshrl.u32 v8, $0x3  }
0x7b: {  	s31 =	simm.s32 $0x4;
	v19 =	vadd.s32 s2, v0;
	v11 =	vor.u32 v3, v10;
	v15 =	vmul.u32 $0x1C00, v9  }
0x7c: {  	v9 =	vshll.u32 v13, $0x7;
	v13 =	vadd.s32 s31, v0;
	v10 =	vand.u32 $0x1F, v14  }
0x7d: {  	v16 =	vand.u32 $0x380, v9;
	v9 =	vand.u32 $0x1F, v13;
	v17 =	vshrl.u32 v10, $0x3  }
0x7e: {  	v15 =	vadd.s32 v5, v15;
	v18 =	vshrl.u32 v9, $0x3;
	v17 =	vmul.u32 $0x1C00, v17  }
0x7f: {  	v13 =	vshll.u32 v13, $0x7;
	v15 =	vor.u32 v16, v15;
	v16 =	vmul.u32 $0x1C00, v18  }
0x80: {  	v18 =	vshll.u32 v14, $0x7;
	v14 =	vor.u32 v3, v15;
	v15 =	vadd.s32 v5, v17  }
0x81: {  	v17 =	vand.u32 $0x380, v18;
	v18 =	vand.u32 $0x380, v13;
	v16 =	vadd.s32 v5, v16  }
0x82: {  	v13 =	vand.u32 $0x1F, v19;
	v19 =	vshll.u32 v19, $0x7;
	v16 =	vor.u32 v18, v16  }
0x83: {  	s31 =	simm.s32 $0x2;
	v17 =	vor.u32 v17, v15;
	v18 =	vshrl.u32 v13, $0x3;
	v15 =	vor.u32 v3, v16  }
0x84: {  	s30 =	simm.s32 $0x8;
	s2 =	simm.s32 $0x1;
	v16 =	vor.u32 v3, v17;
	v17 =	vadd.s32 s31, v0;
	v18 =	vmul.u32 $0x1C00, v18  }
.LBB2_8:
0x85: {  	p1 =	slt.u32 s30, $0x18;
	v20 =	vadd.s32 s2, v0;
	v21 =	vand.u32 $0x1F, v17;
	v19 =	vand.u32 $0x380, v19  }
0x86: {  	v22 =	vand.u32 $0x1F, v20;
	v23 =	vshrl.u32 v21, $0x3;
	v18 =	vadd.s32 v5, v18  }
0x87: {  	v24 =	vshrl.u32 v22, $0x3;
	v23 =	vmul.u32 $0x1C00, v23;
	v18 =	vor.u32 v19, v18  }
0x88: {  	v17 =	vshll.u32 v17, $0x7;
	v19 =	vmul.u32 $0x1C00, v24;
	v18 =	vor.u32 v3, v18  }
0x89: {  	v20 =	vshll.u32 v20, $0x7;
	v17 =	vand.u32 $0x380, v17;
	v23 =	vadd.s32 v5, v23  }
0x8a: {  	v20 =	vand.u32 $0x380, v20;
	v12 =	vld.idx.msk [tilespmem:v12+s16+$0x0], $0xffff;
	v19 =	vadd.s32 v5, v19;
	v17 =	vor.u32 v17, v23  }
0x8b: {  	v23 =	vor.u32 v2, v6;
	v6 =	vor.u32 v20, v19;
	v17 =	vor.u32 v3, v17;
	v11 =	vld.idx.msk [tilespmem:v11+s16+$0x0], $0xffff  }
0x8c: {  	s0 =	sadd.s32 $0x7, s30;
	v20 =	vor.u32 v2, v4;
	v19 =	vor.u32 v3, v6;
	v14 =	vld.idx.msk [tilespmem:v14+s16+$0x0], $0xffff  }
0x8d: {  	v8 =	vor.u32 v2, v8;
	v24 =	vadd.s32 s0, v0;
	v4 =	vadd.s32 s30, v0;
	v16 =	vld.idx.msk [tilespmem:v16+s16+$0x0], $0xffff  }
0x8e: {  	v10 =	vor.u32 v2, v10;
	v6 =	vand.u32 $0x1F, v4;
	v4 =	vand.u32 $0x1F, v24;
	v15 =	vld.idx.msk [tilespmem:v15+s16+$0x0], $0xffff  }
0x8f: {  	v9 =	vor.u32 v2, v9;
	v25 =	vshrl.u32 v6, $0x3;
	v26 =	vshrl.u32 v4, $0x3;
	v18 =	vld.idx.msk [tilespmem:v18+s16+$0x0], $0xffff  }
0x90: {  	v13 =	vor.u32 v2, v13;
	v24 =	vshll.u32 v24, $0x7;
	v26 =	vmul.u32 $0x1C00, v26;
	[tilespmem:v23+s20+$0x0] =	vst.idx.msk $0xffff, v12;
	v17 =	vld.idx.msk [tilespmem:v17+s16+$0x0], $0xffff  }
0x91: {  	v21 =	vor.u32 v2, v21;
	s0 =	sadd.s32 $0x6, s30;
	v12 =	vmul.u32 $0x1C00, v25;
	v23 =	vand.u32 $0x380, v24;
	v19 =	vld.idx.msk [tilespmem:v19+s16+$0x0], $0xffff;
	[tilespmem:v20+s20+$0x0] =	vst.idx.msk $0xffff, v11  }
0x92: {  	v22 =	vor.u32 v2, v22;
	v20 =	vadd.s32 s0, v0;
	v11 =	vadd.s32 v5, v26;
	[tilespmem:v8+s20+$0x0] =	vst.idx.msk $0xffff, v14  }
0x93: {  	v8 =	vand.u32 $0x1F, v20;
	v11 =	vor.u32 v23, v11;
	[tilespmem:v10+s20+$0x0] =	vst.idx.msk $0xffff, v16  }
0x94: {  	s0 =	sadd.s32 $0x5, s30;
	v12 =	vadd.s32 v7, v12;
	v10 =	vshrl.u32 v8, $0x3;
	v11 =	vor.u32 v3, v11;
	[tilespmem:v9+s20+$0x0] =	vst.idx.msk $0xffff, v15  }
0x95: {  	s2 =	sadd.s32 $0x4, s30;
	v14 =	vadd.s32 s0, v0;
	v15 =	vmul.u32 $0x1C00, v10;
	v9 =	vshll.u32 v20, $0x7;
	[tilespmem:v13+s20+$0x0] =	vst.idx.msk $0xffff, v18  }
0x96: {  	v10 =	vand.u32 $0x1F, v14;
	v13 =	vadd.s32 s2, v0;
	v16 =	vand.u32 $0x380, v9;
	[tilespmem:v21+s20+$0x0] =	vst.idx.msk $0xffff, v17  }
0x97: {  	v9 =	vand.u32 $0x1F, v13;
	v17 =	vshrl.u32 v10, $0x3;
	v15 =	vadd.s32 v5, v15;
	[tilespmem:v22+s20+$0x0] =	vst.idx.msk $0xffff, v19  }
0x98: {  	v18 =	vshrl.u32 v9, $0x3;
	v17 =	vmul.u32 $0x1C00, v17;
	v15 =	vor.u32 v16, v15  }
0x99: {  	v16 =	vmul.u32 $0x1C00, v18;
	v18 =	vshll.u32 v14, $0x7;
	v14 =	vor.u32 v3, v15  }
.Ltmp4:
0x9a: {  	s0 =	sadd.s32 $0x3, s30;
	v13 =	vshll.u32 v13, $0x7;
	v15 =	vadd.s32 v5, v17;
	v17 =	vand.u32 $0x380, v18;
	(pc) =	sbr.rel @p1 .LBB2_8-.Ltmp4, $4  }
0x9b: {  	v19 =	vadd.s32 s0, v0;
	v18 =	vand.u32 $0x380, v13;
	v16 =	vadd.s32 v5, v16  }
0x9c: {  	v13 =	vand.u32 $0x1F, v19;
	v17 =	vor.u32 v17, v15;
	v16 =	vor.u32 v18, v16  }
0x9d: {  	s0 =	sadd.s32 $0x2, s30;
	v18 =	vshrl.u32 v13, $0x3;
	v15 =	vor.u32 v3, v16;
	v16 =	vor.u32 v3, v17  }
0x9e: {  	s2 =	sadd.s32 $0x1, s30;
	s30 =	sadd.s32 $0x8, s30;
	v19 =	vshll.u32 v19, $0x7;
	v17 =	vadd.s32 s0, v0;
	v18 =	vmul.u32 $0x1C00, v18  }
0x9f: {  	v7 =	vadd.s32 s2, v0  }
0xa0: {  	v20 =	vand.u32 $0x1F, v17;
	v19 =	vand.u32 $0x380, v19;
	v56 =	vshll.u32 v17, $0x7  }
0xa1: {  	v6 =	vor.u32 v2, v6;
	v21 =	vand.u32 $0x1F, v7;
	v22 =	vshrl.u32 v20, $0x3  }
0xa2: {  	v18 =	vadd.s32 v5, v18;
	v23 =	vshrl.u32 v21, $0x3;
	v22 =	vmul.u32 $0x1C00, v22  }
0xa3: {  	v7 =	vshll.u32 v7, $0x7;
	v17 =	vand.u32 $0x380, v56;
	v55 =	vmul.u32 $0x1C00, v23  }
0xa4: {  	v18 =	vor.u32 v19, v18;
	v7 =	vand.u32 $0x380, v7;
	v22 =	vadd.s32 v5, v22  }
0xa5: {  	v12 =	vld.idx.msk [tilespmem:v12+s16+$0x0], $0xffff;
	v18 =	vor.u32 v3, v18;
	v57 =	vadd.s32 v5, v55;
	v17 =	vor.u32 v17, v22  }
0xa6: {  	v11 =	vld.idx.msk [tilespmem:v11+s16+$0x0], $0xffff;
	v4 =	vor.u32 v2, v4;
	v5 =	vor.u32 v7, v57;
	v58 =	vor.u32 v3, v17  }
0xa7: {  	v59 =	vld.idx.msk [tilespmem:v14+s16+$0x0], $0xffff;
	v8 =	vor.u32 v2, v8;
	v3 =	vor.u32 v3, v5  }
0xa8: {  	v60 =	vld.idx.msk [tilespmem:v16+s16+$0x0], $0xffff;
	v10 =	vor.u32 v2, v10  }
0xa9: {  	v15 =	vld.idx.msk [tilespmem:v15+s16+$0x0], $0xffff;
	v9 =	vor.u32 v2, v9  }
0xaa: {  	v62 =	vor.u32 v2, v13;
	[tilespmem:v6+s20+$0x0] =	vst.idx.msk $0xffff, v12;
	v61 =	vld.idx.msk [tilespmem:v18+s16+$0x0], $0xffff  }
0xab: {  	s29 =	sadd.s32 $0x1, s29;
	v63 =	vor.u32 v2, v20;
	[tilespmem:v4+s20+$0x0] =	vst.idx.msk $0xffff, v11;
	v7 =	vld.idx.msk [tilespmem:v58+s16+$0x0], $0xffff  }
0xac: {  	p1 =	sne.s32 s29, $0x38;
	v2 =	vor.u32 v2, v21;
	[tilespmem:v8+s20+$0x0] =	vst.idx.msk $0xffff, v59;
	v3 =	vld.idx.msk [tilespmem:v3+s16+$0x0], $0xffff  }
.Ltmp5:
0xad: {  	[tilespmem:v10+s20+$0x0] =	vst.idx.msk $0xffff, v60;
	(pc) =	sbr.rel @p1 .LBB2_7-.Ltmp5, $4  }
0xae: {  	[tilespmem:v9+s20+$0x0] =	vst.idx.msk $0xffff, v15  }
0xaf: {  	[tilespmem:v62+s20+$0x0] =	vst.idx.msk $0xffff, v61  }
0xb0: {  	[tilespmem:v63+s20+$0x0] =	vst.idx.msk $0xffff, v7  }
0xb1: {  	[tilespmem:v2+s20+$0x0] =	vst.idx.msk $0xffff, v3  }
.Ltmp6:
0xb2: {  	(pc) =	sbr.rel @p2 .LBB2_12-.Ltmp6, $4  }
0xb3: {  	_ = 	snop  }
0xb4: {  	s0 =	sshll.u32 s26, $0x2  }
0xb5: {  	s0 =	sadd.s32 s13, s0  }
0xb6: {  	[hbm4b:s0+s4] =	stream.linear.scatter [tilespmem:s20], [sflag:$0x4], $0x7000, $0x38;
	[tilespmem:$0x1C800] =	vst v63  }
0xb7: {  	s0 =	sadd.s32 s10, s25  }
0xb8: {  	s0 =	smul.u32 $0x380, s0  }
.Ltmp7:
0xb9: {  	_ = 	snop;
	(pc) =	sbr.rel .LBB2_2-.Ltmp7, $4  }
0xba: {  	_ = 	snop  }
0xbb: {  	s0 =	smin.u32 s0, $0x27A880  }
0xbc: {  	s24 =	sadd.s32 $0x1, s24;
	s0 =	sadd.s32 s1, s0  }
0xbd: {  	[tilespmem:s16], [sflag:$0x2] =	stream.strided.gather [hbm4b:s0+s14], $0x7000, s15, s14, $0x38;
	[tilespmem:$0x1C800] =	vst v63  }
.LBB2_13:
0xbe: {  	_ =	sfence.sel $0x180000  }
0xbf: {  	[bflag:$0x0] =	sbarrier.arrive $0xFFFF  }
0xc0: {  	_ =	strace $0x90000047  }
0xc1: {  	s0 =	stileid.u32;
	[bflag:$0x2] =	sbarrier.arrive $0xFFFF  }
0xc2: {  	p0 =	sne.s32 s0, $0x0;
	s0 =	rddreg [dreg:$0x3]  }
0xc3: {  	s0 =	sadd.s32 @!p0 $0x100000, s0  }
0xc4: {  	[sflag:s0] =	ssyncadd.tile.s32 @!p0 $0x1;
	_ =	shalt  }
.Lfunc_end2:
_tile_overlayer_lowered:
.L_overlay_start_2:
0xc5: {  	(tag) =	ssettag $0x2  }
0xc6: {  	s0 =	rddreg [dreg:$0x0];
	s2 =	stileid.u32  }
0xc7: {  	s1 =	rddreg [dreg:$0x1];
	p0 =	sne.s32 s2, $0x0  }
0xc8: {  	s3 =	rddreg [dreg:$0x2];
	[bflag:$0x3] =	sbarrier.arrive $0xFFFF;
	s2 =	simm.s32 @!p0 $0x1C05  }
0xc9: {  	[timem:s3], [sflag:s2] =	dma.local @!p0 [hbm:s0], s1  }
0xca: {  	s0 =	simm.s32 @!p0 $0x5  }
0xcb: {  	_ =	swait.ge @!p0 [sflag:s0], s1  }
0xcc: {  	s1 =	ssub.s32 @!p0 $0x0, s1;
	[sflag:s0] =	ssyncset.done @!p0 $0x0  }
0xcd: {  	[sflag:s0] =	ssyncadd.s32 @!p0 s1  }
0xce: {  	[bflag:$0x3] =	sbarrier.arrive $0xFFFF  }
0xcf: {  	_ =	shalt  }

// kernel: _tokenize.7.cloned.1.call-start
scs
__scs_entry_jumppad:
0x0: {  	(pc) =	sbr.rel $0x88, $3  }
0x1: {  	(tag) =	ssettag $0x0;
	lr =	simm.s32 $0x1  }
0x2: {  	[smem:$0x3F9C] =	sst lr;
	_ =	strace $0xD0000000  }
0x3: {  	_ = 	snop  }
0x4: {  	_ = 	snop  }
0x5: {  	_ = 	snop  }
0x6: {  	_ = 	snop  }
0x7: {  	_ = 	snop  }
__scs_overlays_trampoline_lowered:
0x8: {  	[smem:$0x3FAB] =	sst s0  }
0x9: {  	[smem:$0x3FAC] =	sst s1  }
0xa: {  	[smem:$0x3FAD] =	sst s2  }
0xb: {  	[smem:$0x3FAE] =	sst s3  }
0xc: {  	[smem:$0x3FAF] =	sst s4  }
0xd: {  	[smem:$0x3FB0] =	sst s5  }
0xe: {  	[smem:$0x3FB1] =	sst s6  }
0xf: {  	[smem:$0x3FB2] =	sst s7  }
0x10: {  	[smem:$0x3FB3] =	sst s8  }
0x11: {  	[smem:$0x3FB4] =	sst s9;
	s0 =	simm.s32 @!p0 $0x0  }
0x12: {  	s1 =	sld [smem:$0x3F9A];
	s0 =	simm.s32 @p0 $0x1  }
0x13: {  	[smem:$0x3FB5] =	sst s0;
	s0 =	simm.s32 @!p1 $0x0  }
0x14: {  	s2 =	sld [smem:$0x3F99];
	s0 =	simm.s32 @p1 $0x1  }
0x15: {  	[smem:$0x3FB6] =	sst s0;
	s0 =	simm.s32 @!p2 $0x0  }
0x16: {  	s3 =	sld [smem:$0x3FDB];
	s0 =	simm.s32 @p2 $0x1  }
0x17: {  	s4 =	simm.s32 $0x1BF5;
	[smem:$0x3FB8] =	sst s0  }
0x18: {  	s0 =	sld [smem:$0x3F9B];
	_ =	swait.ge [sflag:s4], $0x0  }
0x19: {  	s7 =	sld [smem:$0x3F9C]  }
0x1a: {  	s8 =	sadd.s32 $0xFFFFE003, lr  }
0x1b: {  	s9 =	sadd.s32 $0xFFFFFEF7, lr;
	s5 =	simm.s32 $0xFFFFFFFF;
	p2 =	slt.u32 s8, $0xFFFFF086  }
0x1c: {  	p1 =	slt.u32 s9, $0xF7A;
	s5 =	simm.s32 @!p2 $0x0  }
0x1d: {  	s5 =	simm.s32 @p1 $0x1;
	p0 =	seq.s32 s7, s2  }
0x1e: {  	s7 =	smul.u32 @!p0 $0xF7A, s2;
	p2 =	seq.s32 @!p0 s5, $0x0  }
0x1f: {  	s9 =	smul.u32 $0xF7A, s1;
	s8 =	simm.s32 @!p0 $0x1BF5;
	p2 =	por !p2, p0  }
0x20: {  	[sflag:s8] =	ssyncset.s32 @!p0 $0xFFFFF086;
	s6 =	sadd.s32 @!p0 s3, s7;
	s7 =	simm.s32 @!p0 $0x108  }
0x21: {  	s3 =	sadd.s32 s3, s9;
	s6 =	sadd.s32 @!p0 $0x88, s6;
	s7 =	simm.s32 @p2 $0x1082  }
0x22: {  	[simem:s7], [sflag:s8] =	dma.local @!p0 [hbm:s6], $0xF7A  }
0x23: {  	s9 =	sor.u32 $0xD0000000, s2;
	s6 =	simm.s32 $0x108;
	_ =	swait.ge @!p0 [sflag:s8], $0x0  }
0x24: {  	s3 =	sadd.s32 $0x88, s3;
	s6 =	simm.s32 @!p1 $0x1082;
	[sflag:s4] =	ssyncset.s32 $0xFFFFF086  }
0x25: {  	[simem:s6], [sflag:s4] =	dma.local [hbm:s3], $0xF7A  }
0x26: {  	[smem:$0x3F9C] =	sst s1;
	(tag) =	ssettag s2;
	_ =	strace s9  }
0x27: {  	s1 =	sld [smem:$0x3FAC]  }
0x28: {  	s2 =	sld [smem:$0x3FAD]  }
0x29: {  	s4 =	sld [smem:$0x3FAF]  }
0x2a: {  	p0 =	seq.s32 s5, $0x0;
	s5 =	sld [smem:$0x3FB0]  }
0x2b: {  	s6 =	sld [smem:$0x3FB1]  }
0x2c: {  	s7 =	sld [smem:$0x3FB2]  }
0x2d: {  	s3 =	simm.s32 $0x108;
	s8 =	sld [smem:$0x3FB3]  }
0x2e: {  	s3 =	simm.s32 @!p0 $0x1082;
	s9 =	sld [smem:$0x3FB4]  }
0x2f: {  	lr =	sadd.s32 s0, s3;
	s0 =	sld [smem:$0x3FAB]  }
0x30: {  	s3 =	sld [smem:$0x3FAE]  }
0x31: {  	[smem:$0x3FB7] =	sst s10  }
0x32: {  	s10 =	sld [smem:$0x3FB5];
	_ =	sdelay $0x3  }
0x33: {  	p0 =	seq.s32 s10, $0x1;
	s10 =	sld [smem:$0x3FB7];
	_ =	sdelay $0x3  }
0x34: {  	[smem:$0x3FB7] =	sst s10  }
0x35: {  	s10 =	sld [smem:$0x3FB6];
	_ =	sdelay $0x3  }
0x36: {  	p1 =	seq.s32 s10, $0x1;
	s10 =	sld [smem:$0x3FB7];
	_ =	sdelay $0x3  }
0x37: {  	[smem:$0x3FB7] =	sst s10  }
0x38: {  	s10 =	sld [smem:$0x3FB8]  }
0x39: {  	_ = 	snop;
	(pc) =	sbr.ind lr, $3  }
0x3a: {  	_ = 	snop  }
0x3b: {  	_ = 	snop  }
0x3c: {  	p2 =	seq.s32 s10, $0x1;
	s10 =	sld [smem:$0x3FB7]  }
0x3d: {  	_ =	shalt  }
0x3e: {  	_ =	shalt  }
0x3f: {  	_ =	shalt  }
0x40: {  	_ =	shalt  }
0x41: {  	_ =	shalt  }
0x42: {  	_ =	shalt  }
0x43: {  	_ =	shalt  }
0x44: {  	_ =	shalt  }
0x45: {  	_ =	shalt  }
0x46: {  	_ =	shalt  }
0x47: {  	_ =	shalt  }
0x48: {  	_ =	shalt  }
0x49: {  	_ =	shalt  }
0x4a: {  	_ =	shalt  }
0x4b: {  	_ =	shalt  }
0x4c: {  	_ =	shalt  }
0x4d: {  	_ =	shalt  }
0x4e: {  	_ =	shalt  }
0x4f: {  	_ =	shalt  }
0x50: {  	_ =	shalt  }
0x51: {  	_ =	shalt  }
0x52: {  	_ =	shalt  }
0x53: {  	_ =	shalt  }
0x54: {  	_ =	shalt  }
0x55: {  	_ =	shalt  }
0x56: {  	_ =	shalt  }
0x57: {  	_ =	shalt  }
0x58: {  	_ =	shalt  }
0x59: {  	_ =	shalt  }
0x5a: {  	_ =	shalt  }
0x5b: {  	_ =	shalt  }
0x5c: {  	_ =	shalt  }
0x5d: {  	_ =	shalt  }
0x5e: {  	_ =	shalt  }
0x5f: {  	_ =	shalt  }
0x60: {  	_ =	shalt  }
0x61: {  	_ =	shalt  }
0x62: {  	_ =	shalt  }
0x63: {  	_ =	shalt  }
0x64: {  	_ =	shalt  }
0x65: {  	_ =	shalt  }
0x66: {  	_ =	shalt  }
0x67: {  	_ =	shalt  }
0x68: {  	_ =	shalt  }
0x69: {  	_ =	shalt  }
0x6a: {  	_ =	shalt  }
0x6b: {  	_ =	shalt  }
0x6c: {  	_ =	shalt  }
0x6d: {  	_ =	shalt  }
0x6e: {  	_ =	shalt  }
0x6f: {  	_ =	shalt  }
0x70: {  	_ =	shalt  }
0x71: {  	_ =	shalt  }
0x72: {  	_ =	shalt  }
0x73: {  	_ =	shalt  }
0x74: {  	_ =	shalt  }
0x75: {  	_ =	shalt  }
0x76: {  	_ =	shalt  }
0x77: {  	_ =	shalt  }
0x78: {  	_ =	shalt  }
0x79: {  	_ =	shalt  }
0x7a: {  	_ =	shalt  }
0x7b: {  	_ =	shalt  }
0x7c: {  	_ =	shalt  }
0x7d: {  	_ =	shalt  }
0x7e: {  	_ =	shalt  }
0x7f: {  	_ =	shalt  }
0x80: {  	_ =	shalt  }
0x81: {  	_ =	shalt  }
0x82: {  	_ =	shalt  }
0x83: {  	_ =	shalt  }
0x84: {  	_ =	shalt  }
0x85: {  	_ =	shalt  }
0x86: {  	_ =	shalt  }
0x87: {  	_ =	shalt  }
.Lfunc_end0:
.L_simem_size_0:
called_computation.2_lowered:
.L_overlay_start_0:
0x88: {  	s2 =	sld [smem:$0x3FD9]  }
0x89: {  	s3 =	sld [smem:$0x3FFE];
	_ =	sdelay $0x1  }
0x8a: {  	s1 =	srdreg.scid  }
0x8b: {  	s0 =	sand.u32 $0x1, s1  }
0x8c: {  	s17 =	sshll.u32 s0, $0xA;
	s2 =	sadd.s32 s3, s2  }
0x8d: {  	s2 =	sadd.s32 s2, s17  }
0x8e: {  	[smem:$0x3FC3] =	sst s2  }
0x8f: {  	_ = 	snop  }
0x90: {  	s2 =	sld [smem:$0x3FC9]  }
0x91: {  	s18 =	sld [smem:$0x3FC8]  }
0x92: {  	s4 =	sld [smem:$0x3FC7]  }
0x93: {  	s5 =	sld [smem:$0x3FD0];
	(tm) =	ssettm $0x1  }
0x94: {  	s6 =	sld [smem:$0x3FFB];
	_ =	sdelay $0x3  }
0x95: {  	_ =	strace s6  }
0x96: {  	s6 =	sld [smem:$0x3FFC];
	_ =	sdelay $0x3  }
0x97: {  	_ =	strace s6  }
0x98: {  	s6 =	sld [smem:$0x3FFD];
	_ =	sdelay $0x3  }
0x99: {  	_ =	strace s6  }
0x9a: {  	_ =	strace $0x8FFFFFFF  }
0x9b: {  	s19 =	sld [smem:$0x3FDB];
	_ =	sdelay $0x1  }
0x9c: {  	s7 =	simm.s32 $_scs_section_size  }
0x9d: {  	s8 =	simm.s32 $_size__tile_overlayer_lowered;
	s9 =	simm.s32 $_tile_overlayer_lowered  }
0x9e: {  	s22 =	simm.s32 $0x1BFF;
	s21 =	sshll.u32 s9, $0x1;
	s6 =	sadd.s32 s7, s19  }
0x9f: {  	s10 =	simm.s32 $0x0;
	s20 =	sshll.u32 s8, $0x1;
	s8 =	sadd.s32 s21, s6  }
0xa0: {  	[timem:s10], [sflag:s22] =	dma.local [hbm:s8], s20  }
0xa1: {  	_ =	swait.ge [sflag:s22], s20  }
0xa2: {  	s7 =	ssub.s32 $0x0, s20;
	[sflag:s22] =	ssyncset.done $0x0  }
0xa3: {  	[sflag:s22] =	ssyncadd.s32 s7;
	_ =	sdelay $0x1  }
0xa4: {  	s23 =	simm.s32 $0x1B8B  }
0xa5: {  	_ =	swait.ge [sflag:s23], $0x1  }
0xa6: {  	[sflag:s23] =	ssyncset.done $0x0  }
0xa7: {  	s25 =	simm.s32 $0x1B8E;
	s24 =	sld [smem:$0x3FFE];
	[sflag:s23] =	ssyncadd.s32 $0xFFFFFFFF  }
0xa8: {  	s26 =	simm.s32 $execute0_lowered;
	[smem:$0x3FD2] =	sst s25  }
0xa9: {  	s8 =	sshll.u32 s26, $0x1;
	_ =	strace $0x80000049;
	[dreg:$0x1] =	wrdreg $0xFFFFFFFF  }
0xaa: {  	s28 =	simm.s32 $_size_execute0_lowered;
	s6 =	sadd.s32 s6, s8;
	[dreg:$0x0] =	wrdreg $0x0  }
0xab: {  	s8 =	sshll.u32 s28, $0x1;
	[dreg:$0x2] =	wrdreg s6  }
0xac: {  	[dreg:$0x3] =	wrdreg s8  }
0xad: {  	[dreg:$0x4] =	wrdreg $0xC0  }
0xae: {  	_ =	task [dreg:s10], $0x5FFFF  }
0xaf: {  	[dreg:$0x1] =	wrdreg $0xFFFFFFFF  }
0xb0: {  	[dreg:$0x0] =	wrdreg $0x60  }
0xb1: {  	[dreg:$0x2] =	wrdreg s2  }
0xb2: {  	[dreg:$0x3] =	wrdreg s18  }
0xb3: {  	[dreg:$0x4] =	wrdreg s4  }
0xb4: {  	[dreg:$0x5] =	wrdreg s24  }
0xb5: {  	[dreg:$0x6] =	wrdreg s5  }
0xb6: {  	[dreg:$0x7] =	wrdreg $0x9  }
0xb7: {  	_ =	task.clear_ibuf [dreg:s10], $0x8FFFF;
	_ =	strace $0x90000049  }
0xb8: {  	s29 =	simm.s32 $0x9;
	_ =	strace $0x8000004B  }
0xb9: {  	_ =	swait.ge [sflag:s29], $0x1  }
0xba: {  	[sflag:s29] =	ssyncadd.s32 $0xFFFFFFFF  }
0xbb: {  	_ =	strace $0x9000004B  }
0xbc: {  	_ =	sfence  }
0xbd: {  	s30 =	sld [smem:$0x0];
	_ =	sdelay $0x2  }
0xbe: {  	s31 =	sshll.u32 s1, $0xD;
	s1 =	sshrl.u32 s1, $0x2  }
0xbf: {  	s3 =	sand.u32 $0x4000, s31;
	s1 =	sadd.s32 s1, s30  }
0xc0: {  	s0 =	sor.u32 s3, s0;
	s1 =	sshll.u32 s1, $0x11  }
0xc1: {  	s0 =	sor.u32 s1, s0  }
0xc2: {  	s0 =	sadd.s32 $0x8F2B, s0  }
0xc3: {  	[sflag:s0] =	ssyncadd.remote.s32 $0x1  }
0xc4: {  	_ =	sfence.sel $0xFFFF  }
0xc5: {  	[dreg:$0x0] =	wrdreg $0xFFFFFFFF;
	(pc) =	sbr.abs _section_cstart, $3  }
0xc6: {  	[dreg:$0x1] =	wrdreg $0xFFFFFFFF  }
0xc7: {  	_ =	task.clear_ibuf [dreg:s10], $0x2FFFF;
	_ =	strace $0x9FFFFFFF  }
0xc8: {  	(tm) =	ssettm $0x7FFFFFFF  }
0xc9: {  	_ =	shalt  }
tec
execute0_lowered:
.L_overlay_start_1:
0x0: {  	(tag) =	ssettag $0x1  }
0x1: {  	s7 =	rddreg [dreg:$0x0]  }
0x2: {  	s1 =	rddreg [dreg:$0x1]  }
0x3: {  	s3 =	rddreg [dreg:$0x2]  }
0x4: {  	s6 =	rddreg [dreg:$0x3]  }
0x5: {  	s4 =	rddreg [dreg:$0x4];
	s5 =	srdreg.scid  }
0x6: {  	s2 =	stileid.u32;
	s0 =	rddreg [dreg:$0x5]  }
0x7: {  	s12 =	simm.s32 $0x5438;
	s13 =	simm.s32 $0x5778;
	s14 =	simm.s32 $0x80  }
0x8: {  	s15 =	simm.s32 $0x3400;
	s16 =	simm.s32 $0x4400;
	s17 =	simm.s32 $0x1  }
0x9: {  	s18 =	simm.s32 $0x2;
	s19 =	simm.s32 $0x4;
	s20 =	simm.s32 $0x3  }
0xa: {  	s21 =	simm.s32 $0x0;
	s8 =	sand.u32 $0x1, s5;
	s9 =	sshll.u32 s2, $0x1  }
.Ltmp0:
0xb: {  	s5 =	simm.s32 $0x0;
	s6 =	sadd.s32 $0xC00, s6;
	(pc) =	sbr.rel .LBB2_1-.Ltmp0, $4  }
0xc: {  	s10 =	ssub.s32 $0x2, s8;
	s8 =	sor.u32 s8, s9;
	[smem:$0x7FF] =	sst s5  }
0xd: {  	s31 =	sshrl.u32 s10, $0x1;
	s11 =	smul.u32 $0x680, s8;
	_ =	strace $0x8000004A  }
0xe: {  	s8 =	smul.u32 $0x3400, s8;
	s9 =	ssub.s32 s10, s31;
	s10 =	simm.s32 $0x5400  }
0xf: {  	s7 =	sadd.s32 s7, s11;
	s9 =	smax.u32 s9, $0x1;
	s11 =	simm.s32 $0x5  }
.LBB2_14:
0x10: {  	s21 =	sadd.s32 $0x1, s21  }
0x11: {  	_ =	swait.ge [sflag:s20], $0x1000;
	p0 =	sne.s32 s21, s9  }
.Ltmp1:
0x12: {  	[sflag:s20] =	ssyncset.done $0x0;
	(pc) =	sbr.rel @!p0 .LBB2_15-.Ltmp1, $4  }
0x13: {  	[sflag:s20] =	ssyncadd.s32 $0xFFFFF000  }
0x14: {  	_ =	swait.ge [sflag:s19], $0x1000  }
0x15: {  	[sflag:s19] =	ssyncset.done $0x0  }
0x16: {  	[sflag:s19] =	ssyncadd.s32 $0xFFFFF000  }
.LBB2_1:
0x17: {  	[tilespmem:s10], [sflag:$0x5] =	stream.linear.gather [hbm4b:s1+s5], $0x38, $0x38;
	[tilespmem:$0x5AB8] =	vst v63  }
0x18: {  	_ =	swait.ge [sflag:s11], $0x38  }
0x19: {  	[sflag:s11] =	ssyncset.done $0x0  }
0x1a: {  	[sflag:s11] =	ssyncadd.s32 $0xFFFFFFC8  }
0x1b: {  	[tilespmem:s12], [sflag:$0x5] =	stream.linear.gather [hbm4b:s3+s5], $0x340, $0x38;
	[tilespmem:$0x5AB8] =	vst v63  }
0x1c: {  	_ =	swait.ge [sflag:s11], $0x340  }
0x1d: {  	[sflag:s11] =	ssyncset.done $0x0  }
0x1e: {  	[sflag:s11] =	ssyncadd.s32 $0xFFFFFCC0  }
0x1f: {  	[tilespmem:s13], [sflag:$0x5] =	stream.linear.gather [hbm4b:s3+s5], $0x340, $0x38;
	[tilespmem:$0x5AB8] =	vst v63  }
0x20: {  	_ =	swait.ge [sflag:s11], $0x340  }
0x21: {  	[sflag:s11] =	ssyncset.done $0x0  }
0x22: {  	[sflag:s11] =	ssyncadd.s32 $0xFFFFFCC0  }
0x23: {  	[tilespmem:s5], [sflag:$0x5] =	stream.linear.gather [hbm4b:s7+s5], $0x3400, $0x38;
	[tilespmem:$0x5AB8] =	vst v63  }
0x24: {  	_ =	swait.ge [sflag:s11], $0x3400  }
0x25: {  	[sflag:s11] =	ssyncset.done $0x0  }
0x26: {  	s22 =	simm.s32 $0x0;
	[sflag:s11] =	ssyncadd.s32 $0xFFFFCC00  }
0x27: {  	v0 =	vld [tilespmem:s22+$0x0]  }
0x28: {  	v1 =	vld [tilespmem:s5+$0x5400];
	_ =	sdelay $0x4  }
0x29: {  	s23 =	simm.s32 $0x10;
	p0 =	por $0x0, $0x0;
	s24 =	simm.s32 $0xFFFFFFF6;
	v0 =	vadd.s32 v0, v1  }
0x2a: {  	s23 =	smov.u32 @p0 s24;
	[tilespmem:s22+$0x0] =	vst v0;
	v0 =	vld [tilespmem:s22+$0x10]  }
0x2b: {  	v1 =	vld [tilespmem:s23+$0x5400];
	_ =	sdelay $0x3  }
0x2c: {  	s24 =	sadd.s32 $0x10, s23  }
0x2d: {  	p0 =	sgt.s32 s24, $0x19;
	s23 =	sadd.s32 $0xFFFFFFF6, s23;
	v0 =	vadd.s32 v0, v1  }
0x2e: {  	s24 =	smov.u32 @p0 s23;
	[tilespmem:s22+$0x10] =	vst v0;
	v0 =	vld [tilespmem:s22+$0x20]  }
0x2f: {  	v1 =	vld [tilespmem:s24+$0x5400];
	_ =	sdelay $0x3  }
0x30: {  	s23 =	sadd.s32 $0x10, s24  }
0x31: {  	p0 =	sgt.s32 s23, $0x19;
	s24 =	sadd.s32 $0xFFFFFFF6, s24;
	v0 =	vadd.s32 v0, v1  }
0x32: {  	s23 =	smov.u32 @p0 s24;
	[tilespmem:s22+$0x20] =	vst v0;
	v0 =	vld [tilespmem:s22+$0x30]  }
0x33: {  	v1 =	vld [tilespmem:s23+$0x5400];
	_ =	sdelay $0x3  }
0x34: {  	s24 =	sadd.s32 $0x10, s23  }
0x35: {  	p0 =	sgt.s32 s24, $0x19;
	s23 =	sadd.s32 $0xFFFFFFF6, s23;
	v0 =	vadd.s32 v0, v1  }
0x36: {  	s24 =	smov.u32 @p0 s23;
	[tilespmem:s22+$0x30] =	vst v0;
	v0 =	vld [tilespmem:s22+$0x40]  }
0x37: {  	v1 =	vld [tilespmem:s24+$0x5400];
	_ =	sdelay $0x3  }
0x38: {  	s23 =	sadd.s32 $0x10, s24  }
0x39: {  	p0 =	sgt.s32 s23, $0x19;
	s24 =	sadd.s32 $0xFFFFFFF6, s24;
	v0 =	vadd.s32 v0, v1  }
0x3a: {  	s23 =	smov.u32 @p0 s24;
	[tilespmem:s22+$0x40] =	vst v0;
	v0 =	vld [tilespmem:s22+$0x50]  }
0x3b: {  	v1 =	vld [tilespmem:s23+$0x5400];
	_ =	sdelay $0x3  }
0x3c: {  	s24 =	sadd.s32 $0x10, s23  }
0x3d: {  	p0 =	sgt.s32 s24, $0x19;
	s23 =	sadd.s32 $0xFFFFFFF6, s23;
	v0 =	vadd.s32 v0, v1  }
0x3e: {  	s24 =	smov.u32 @p0 s23;
	[tilespmem:s22+$0x50] =	vst v0;
	v0 =	vld [tilespmem:s22+$0x60]  }
0x3f: {  	v1 =	vld [tilespmem:s24+$0x5400];
	_ =	sdelay $0x1  }
0x40: {  	s26 =	sadd.s32 $0x10, s24  }
0x41: {  	s23 =	sadd.s32 $0xFFFFFFF6, s24;
	p0 =	sgt.s32 s26, $0x19  }
0x42: {  	s26 =	smov.u32 @p0 s23  }
0x43: {  	s25 =	sadd.s32 $0x10, s26;
	v0 =	vadd.s32 v0, v1  }
0x44: {  	s28 =	sadd.s32 $0xFFFFFFF6, s26;
	p0 =	sgt.s32 s25, $0x19;
	[tilespmem:s22+$0x60] =	vst v0;
	v0 =	vld [tilespmem:s22+$0x70]  }
0x45: {  	s23 =	simm.s32 $0x200;
	s24 =	simm.s32 $0x400;
	s25 =	smov.u32 @p0 s28;
	v1 =	vld [tilespmem:s26+$0x5400]  }
.LBB2_2:
0x46: {  	_ =	sdelay $0x2  }
0x47: {  	p0 =	sne.s32 s24, $0xCE00  }
0x48: {  	s26 =	sshra.s32 s23, $0x2;
	s23 =	smov.u32 s24;
	s24 =	sadd.s32 $0x200, s24;
	v0 =	vadd.s32 v0, v1  }
0x49: {  	v1 =	vld [tilespmem:s26+$0x0];
	[tilespmem:s22+$0x70] =	vst v0;
	s22 =	smov.u32 s26  }
0x4a: {  	v0 =	vld [tilespmem:s25+$0x5400];
	_ =	sdelay $0x2  }
0x4b: {  	s26 =	sadd.s32 $0x10, s25  }
0x4c: {  	p1 =	sgt.s32 s26, $0x19;
	s25 =	sadd.s32 $0xFFFFFFF6, s25  }
0x4d: {  	s26 =	smov.u32 @p1 s25;
	v0 =	vadd.s32 v1, v0  }
0x4e: {  	s25 =	sadd.s32 $0x10, s26;
	[tilespmem:s22+$0x0] =	vst v0;
	v0 =	vld [tilespmem:s22+$0x10]  }
0x4f: {  	p1 =	sgt.s32 s25, $0x19;
	v1 =	vld [tilespmem:s26+$0x5400];
	_ =	sdelay $0x3  }
0x50: {  	s26 =	sadd.s32 $0xFFFFFFF6, s26  }
0x51: {  	s25 =	smov.u32 @p1 s26;
	v0 =	vadd.s32 v0, v1  }
0x52: {  	s26 =	sadd.s32 $0x10, s25;
	[tilespmem:s22+$0x10] =	vst v0;
	v0 =	vld [tilespmem:s22+$0x20]  }
0x53: {  	p1 =	sgt.s32 s26, $0x19;
	v1 =	vld [tilespmem:s25+$0x5400];
	s25 =	sadd.s32 $0xFFFFFFF6, s25  }
0x54: {  	s26 =	smov.u32 @p1 s25  }
0x55: {  	s25 =	sadd.s32 $0x10, s26  }
0x56: {  	p1 =	sgt.s32 s25, $0x19;
	_ =	sdelay $0x1  }
0x57: {  	v0 =	vadd.s32 v0, v1  }
0x58: {  	[tilespmem:s22+$0x20] =	vst v0;
	v0 =	vld [tilespmem:s22+$0x30]  }
0x59: {  	v1 =	vld [tilespmem:s26+$0x5400];
	_ =	sdelay $0x3  }
0x5a: {  	s26 =	sadd.s32 $0xFFFFFFF6, s26  }
0x5b: {  	s25 =	smov.u32 @p1 s26;
	v0 =	vadd.s32 v0, v1  }
0x5c: {  	s26 =	sadd.s32 $0x10, s25;
	[tilespmem:s22+$0x30] =	vst v0;
	v0 =	vld [tilespmem:s22+$0x40]  }
0x5d: {  	p1 =	sgt.s32 s26, $0x19;
	v1 =	vld [tilespmem:s25+$0x5400];
	s25 =	sadd.s32 $0xFFFFFFF6, s25  }
0x5e: {  	s26 =	smov.u32 @p1 s25  }
0x5f: {  	s28 =	sadd.s32 $0x10, s26  }
0x60: {  	s25 =	sadd.s32 $0xFFFFFFF6, s26;
	p1 =	sgt.s32 s28, $0x19  }
0x61: {  	s28 =	smov.u32 @p1 s25  }
0x62: {  	v0 =	vadd.s32 v0, v1;
	s29 =	sadd.s32 $0x10, s28  }
0x63: {  	s25 =	sadd.s32 $0xFFFFFFF6, s28;
	[tilespmem:s22+$0x40] =	vst v0;
	v0 =	vld [tilespmem:s22+$0x50];
	p1 =	sgt.s32 s29, $0x19  }
0x64: {  	v1 =	vld [tilespmem:s26+$0x5400];
	s29 =	smov.u32 @p1 s25  }
0x65: {  	s25 =	sadd.s32 $0x10, s29  }
0x66: {  	s26 =	sadd.s32 $0xFFFFFFF6, s29;
	p1 =	sgt.s32 s25, $0x19  }
0x67: {  	s25 =	smov.u32 @p1 s26;
	_ =	sdelay $0x1  }
0x68: {  	v0 =	vadd.s32 v0, v1  }
0x69: {  	[tilespmem:s22+$0x50] =	vst v0;
	v0 =	vld [tilespmem:s22+$0x60]  }
0x6a: {  	v1 =	vld [tilespmem:s28+$0x5400];
	_ =	sdelay $0x2  }
.Ltmp2:
0x6b: {  	(pc) =	sbr.rel @p0 .LBB2_2-.Ltmp2, $4  }
0x6c: {  	_ = 	snop  }
0x6d: {  	v0 =	vadd.s32 v0, v1  }
0x6e: {  	[tilespmem:s22+$0x60] =	vst v0;
	v0 =	vld [tilespmem:s22+$0x70]  }
0x6f: {  	v1 =	vld [tilespmem:s29+$0x5400]  }
0x70: {  	_ =	sdelay $0x3  }
0x71: {  	s23 =	sshra.s32 s23, $0x2;
	v0 =	vadd.s32 v0, v1  }
0x72: {  	v49 =	vld [tilespmem:s23+$0x0];
	[tilespmem:s22+$0x70] =	vst v0  }
0x73: {  	v0 =	vld [tilespmem:s25+$0x5400];
	_ =	sdelay $0x3  }
0x74: {  	s22 =	sadd.s32 $0x10, s25  }
0x75: {  	s24 =	sadd.s32 $0xFFFFFFF6, s25;
	p0 =	sgt.s32 s22, $0x19;
	v0 =	vadd.s32 v49, v0  }
0x76: {  	v50 =	vld [tilespmem:s23+$0x10];
	s22 =	smov.u32 @p0 s24;
	[tilespmem:s23+$0x0] =	vst v0  }
0x77: {  	v51 =	vld [tilespmem:s22+$0x5400];
	_ =	sdelay $0x3  }
0x78: {  	s24 =	sadd.s32 $0x10, s22  }
0x79: {  	p0 =	sgt.s32 s24, $0x19;
	s22 =	sadd.s32 $0xFFFFFFF6, s22;
	v0 =	vadd.s32 v50, v51  }
0x7a: {  	v52 =	vld [tilespmem:s23+$0x20];
	s24 =	smov.u32 @p0 s22;
	[tilespmem:s23+$0x10] =	vst v0  }
0x7b: {  	v53 =	vld [tilespmem:s24+$0x5400];
	_ =	sdelay $0x3  }
0x7c: {  	s22 =	sadd.s32 $0x10, s24  }
0x7d: {  	p0 =	sgt.s32 s22, $0x19;
	s24 =	sadd.s32 $0xFFFFFFF6, s24;
	v0 =	vadd.s32 v52, v53  }
0x7e: {  	v54 =	vld [tilespmem:s23+$0x30];
	s22 =	smov.u32 @p0 s24;
	[tilespmem:s23+$0x20] =	vst v0  }
0x7f: {  	v55 =	vld [tilespmem:s22+$0x5400];
	_ =	sdelay $0x3  }
0x80: {  	s24 =	sadd.s32 $0x10, s22  }
0x81: {  	p0 =	sgt.s32 s24, $0x19;
	s22 =	sadd.s32 $0xFFFFFFF6, s22;
	v0 =	vadd.s32 v54, v55  }
0x82: {  	v56 =	vld [tilespmem:s23+$0x40];
	s24 =	smov.u32 @p0 s22;
	[tilespmem:s23+$0x30] =	vst v0  }
0x83: {  	v57 =	vld [tilespmem:s24+$0x5400];
	_ =	sdelay $0x3  }
0x84: {  	s22 =	sadd.s32 $0x10, s24  }
0x85: {  	p0 =	sgt.s32 s22, $0x19;
	s24 =	sadd.s32 $0xFFFFFFF6, s24;
	v0 =	vadd.s32 v56, v57  }
0x86: {  	v58 =	vld [tilespmem:s23+$0x50];
	s22 =	smov.u32 @p0 s24;
	[tilespmem:s23+$0x40] =	vst v0  }
0x87: {  	v59 =	vld [tilespmem:s22+$0x5400];
	_ =	sdelay $0x3  }
0x88: {  	s24 =	sadd.s32 $0x10, s22  }
0x89: {  	p0 =	sgt.s32 s24, $0x19;
	s22 =	sadd.s32 $0xFFFFFFF6, s22;
	v0 =	vadd.s32 v58, v59  }
0x8a: {  	v60 =	vld [tilespmem:s23+$0x60];
	s24 =	smov.u32 @p0 s22;
	[tilespmem:s23+$0x50] =	vst v0  }
0x8b: {  	v61 =	vld [tilespmem:s24+$0x5400];
	_ =	sdelay $0x3  }
0x8c: {  	s22 =	sadd.s32 $0x10, s24  }
0x8d: {  	p0 =	sgt.s32 s22, $0x19;
	s24 =	sadd.s32 $0xFFFFFFF6, s24;
	v0 =	vadd.s32 v60, v61  }
0x8e: {  	v62 =	vld [tilespmem:s23+$0x70];
	s22 =	smov.u32 @p0 s24;
	[tilespmem:s23+$0x60] =	vst v0  }
0x8f: {  	v63 =	vld [tilespmem:s22+$0x5400];
	_ =	sdelay $0x4  }
0x90: {  	v0 =	vadd.s32 v62, v63  }
0x91: {  	s22 =	simm.s32 $0x0;
	[tilespmem:s23+$0x70] =	vst v0  }
0x92: {  	[tilespmem:s15], [sflag:$0x1] =	stream.indirect.gather [hbm4b:s6+s14], $0x20, s22, s14, $0xb8;
	[tilespmem:$0x5AB8] =	vst v63  }
0x93: {  	_ = 	snop  }
0x94: {  	[tilespmem:s16], [sflag:$0x2] =	stream.indirect.gather [hbm4b:s6+s14], $0x20, s14, s14, $0xb8;
	[tilespmem:$0x5AB8] =	vst v63  }
.LBB2_4:
0x95: {  	s23 =	smul.u32 $0x4EC500, s22  }
0x96: {  	_ =	swait.ge [sflag:s17], $0x1000  }
0x97: {  	p0 =	seq.s32 s22, $0x0;
	[sflag:s17] =	ssyncset.done $0x0;
	s23 =	sshrl.u32 s23, $0x13  }
0x98: {  	s25 =	simm.s32 @!p0 $0x3;
	[sflag:s17] =	ssyncadd.s32 $0xFFFFF000;
	s23 =	smul.u32 $0x1A, s23  }
0x99: {  	s24 =	sshll.u32 s22, $0x8;
	_ =	swait.ge @!p0 [sflag:s25], $0x1000  }
0x9a: {  	[sflag:s25] =	ssyncset.done @!p0 $0x0;
	s23 =	ssub.s32 s24, s23  }
0x9b: {  	[sflag:s25] =	ssyncadd.s32 @!p0 $0xFFFFF000;
	s25 =	simm.s32 $0x0;
	s26 =	sshll.u32 s23, $0x5  }
0x9c: {  	s28 =	simm.s32 $0x80;
	s23 =	sshll.u32 s22, $0xA;
	v0 =	vld [tilespmem:s25+$0x3400];
	s26 =	sand.u32 $0xFFC0, s26  }
.LBB2_5:
0x9d: {  	p1 =	sne.s32 s28, $0x3F80;
	v1 =	vld [tilespmem:s26+$0x5438];
	_ =	sdelay $0x4  }
0x9e: {  	v0 =	vadd.f32 v1, v0;
	_ =	sdelay $0x1  }
0x9f: {  	[tilespmem:s25+$0x3400] =	vst v0;
	v0 =	vld [tilespmem:s25+$0x3410]  }
0xa0: {  	v1 =	vld [tilespmem:s26+$0x5448];
	_ =	sdelay $0x2  }
.Ltmp3:
0xa1: {  	(pc) =	sbr.rel @p1 .LBB2_5-.Ltmp3, $4  }
0xa2: {  	_ = 	snop  }
0xa3: {  	s29 =	sadd.s32 $0x20, s26;
	s30 =	sshra.s32 s28, $0x2;
	v1 =	vadd.f32 v1, v0  }
0xa4: {  	s31 =	sadd.s32 $0xFFFFFCE0, s26;
	p2 =	sgt.s32 s29, $0x33F;
	s26 =	smov.u32 s29  }
0xa5: {  	s28 =	sadd.s32 $0x80, s28;
	s26 =	smov.u32 @p2 s31;
	v0 =	vld [tilespmem:s30+$0x3400];
	[tilespmem:s25+$0x3410] =	vst v1;
	s25 =	smov.u32 s30  }
0xa6: {  	v1 =	vld [tilespmem:s26+$0x5438];
	_ =	sdelay $0x4  }
0xa7: {  	v0 =	vadd.f32 v1, v0;
	_ =	sdelay $0x1  }
0xa8: {  	v62 =	vld [tilespmem:s25+$0x3410];
	[tilespmem:s25+$0x3400] =	vst v0  }
0xa9: {  	v63 =	vld [tilespmem:s26+$0x5448];
	_ =	sdelay $0x2  }
0xaa: {  	p1 =	sne.s32 s22, $0x33  }
.Ltmp4:
0xab: {  	_ = 	snop;
	(pc) =	sbr.rel @p1 .LBB2_8-.Ltmp4, $4  }
0xac: {  	s30 =	sadd.s32 s8, s24;
	v0 =	vadd.f32 v63, v62  }
0xad: {  	s26 =	sshll.u32 s30, $0x2  }
0xae: {  	s31 =	sadd.s32 s4, s26;
	[tilespmem:s25+$0x3410] =	vst v0  }
0xaf: {  	[hbm4b:s31+s5] =	stream.linear.scatter [tilespmem:s15], [sflag:$0x3], $0x1000, $0x38;
	[tilespmem:$0x5AB8] =	vst v63  }
.Ltmp5:
0xb0: {  	(pc) =	sbr.rel .LBB2_9-.Ltmp5, $4  }
0xb1: {  	_ = 	snop  }
0xb2: {  	_ =	swait.ge [sflag:s18], $0x1000  }
0xb3: {  	[sflag:s18] =	ssyncset.done $0x0  }
0xb4: {  	[sflag:s18] =	ssyncadd.s32 $0xFFFFF000  }
.LBB2_8:
0xb5: {  	s25 =	sshrl.u32 s23, $0x2  }
.Ltmp6:
0xb6: {  	s25 =	sadd.s32 $0x100, s25;
	(pc) =	sbr.rel @p0 .LBB2_10-.Ltmp6, $4  }
0xb7: {  	[tilespmem:s15], [sflag:$0x1] =	stream.indirect.gather [hbm4b:s6+s14], $0x20, s25, s14, $0xb8;
	[tilespmem:$0x5AB8] =	vst v63  }
0xb8: {  	_ =	swait.ge [sflag:s18], $0x1000  }
0xb9: {  	[sflag:s18] =	ssyncset.done $0x0  }
0xba: {  	[sflag:s18] =	ssyncadd.s32 $0xFFFFF000  }
.LBB2_9:
0xbb: {  	_ =	swait.ge [sflag:s19], $0x1000  }
0xbc: {  	[sflag:s19] =	ssyncset.done $0x0  }
0xbd: {  	[sflag:s19] =	ssyncadd.s32 $0xFFFFF000  }
.LBB2_10:
0xbe: {  	s24 =	sor.u32 $0x80, s24  }
0xbf: {  	s25 =	smulhi.u32 $0x4EC4EC4F, s24;
	_ =	sdelay $0x1  }
0xc0: {  	s25 =	sshrl.u32 s25, $0x3  }
0xc1: {  	s25 =	smul.u32 $0x1A, s25;
	_ =	sdelay $0x1  }
0xc2: {  	s26 =	ssub.s32 s24, s25;
	s25 =	simm.s32 $0x0  }
0xc3: {  	s28 =	simm.s32 $0x80;
	s26 =	sshll.u32 s26, $0x5;
	v0 =	vld [tilespmem:s25+$0x4400]  }
.LBB2_11:
0xc4: {  	p0 =	sne.s32 s28, $0x3F80;
	v1 =	vld [tilespmem:s26+$0x5438];
	_ =	sdelay $0x4  }
0xc5: {  	v0 =	vadd.f32 v1, v0;
	_ =	sdelay $0x1  }
0xc6: {  	[tilespmem:s25+$0x4400] =	vst v0;
	v0 =	vld [tilespmem:s25+$0x4410]  }
0xc7: {  	v1 =	vld [tilespmem:s26+$0x5448];
	_ =	sdelay $0x2  }
.Ltmp7:
0xc8: {  	(pc) =	sbr.rel @p0 .LBB2_11-.Ltmp7, $4  }
0xc9: {  	_ = 	snop  }
0xca: {  	s29 =	sadd.s32 $0x20, s26;
	s30 =	sshra.s32 s28, $0x2;
	v1 =	vadd.f32 v1, v0  }
0xcb: {  	s31 =	sadd.s32 $0xFFFFFCE0, s26;
	p1 =	sgt.s32 s29, $0x33F;
	s26 =	smov.u32 s29  }
0xcc: {  	s28 =	sadd.s32 $0x80, s28;
	s26 =	smov.u32 @p1 s31;
	v0 =	vld [tilespmem:s30+$0x4400];
	[tilespmem:s25+$0x4410] =	vst v1;
	s25 =	smov.u32 s30  }
0xcd: {  	v1 =	vld [tilespmem:s26+$0x5438];
	_ =	sdelay $0x4  }
0xce: {  	v0 =	vadd.f32 v1, v0;
	_ =	sdelay $0x1  }
0xcf: {  	v62 =	vld [tilespmem:s25+$0x4410];
	[tilespmem:s25+$0x4400] =	vst v0  }
0xd0: {  	v63 =	vld [tilespmem:s26+$0x5448];
	_ =	sdelay $0x2  }
0xd1: {  	p0 =	seq.s32 s22, $0x33  }
.Ltmp8:
0xd2: {  	s24 =	sadd.s32 s8, s24;
	(pc) =	sbr.rel @p0 .LBB2_14-.Ltmp8, $4  }
0xd3: {  	s24 =	sshll.u32 s24, $0x2;
	v0 =	vadd.f32 v63, v62  }
0xd4: {  	s24 =	sand.u32 $0x1FFFFE00, s24  }
0xd5: {  	s24 =	sadd.s32 s4, s24;
	[tilespmem:s25+$0x4410] =	vst v0  }
0xd6: {  	[hbm4b:s24+s5] =	stream.linear.scatter [tilespmem:s16], [sflag:$0x4], $0x1000, $0x38;
	[tilespmem:$0x5AB8] =	vst v63  }
.Ltmp9:
0xd7: {  	(pc) =	sbr.rel .LBB2_4-.Ltmp9, $4  }
0xd8: {  	_ = 	snop  }
0xd9: {  	s23 =	sshrl.u32 s23, $0x2  }
0xda: {  	s22 =	sadd.s32 $0x1, s22;
	s23 =	sadd.s32 $0x180, s23  }
0xdb: {  	[tilespmem:s16], [sflag:$0x2] =	stream.indirect.gather [hbm4b:s6+s14], $0x20, s23, s14, $0xb8;
	[tilespmem:$0x5AB8] =	vst v63  }
.LBB2_15:
0xdc: {  	_ =	sfence.sel $0x180000  }
0xdd: {  	[bflag:$0x0] =	sbarrier.arrive $0xFFFF  }
0xde: {  	p0 =	sne.s32 s2, $0x0;
	_ =	strace $0x9000004A  }
0xdf: {  	s0 =	sadd.s32 @!p0 $0x100000, s0;
	[bflag:$0x2] =	sbarrier.arrive $0xFFFF  }
0xe0: {  	[sflag:s0] =	ssyncadd.tile.s32 @!p0 $0x1;
	_ =	shalt  }
.Lfunc_end2:
_tile_overlayer_lowered:
.L_overlay_start_2:
0xe1: {  	(tag) =	ssettag $0x2  }
0xe2: {  	s0 =	rddreg [dreg:$0x0];
	s2 =	stileid.u32  }
0xe3: {  	s1 =	rddreg [dreg:$0x1];
	p0 =	sne.s32 s2, $0x0  }
0xe4: {  	s3 =	rddreg [dreg:$0x2];
	[bflag:$0x3] =	sbarrier.arrive $0xFFFF;
	s2 =	simm.s32 @!p0 $0x1C05  }
0xe5: {  	[timem:s3], [sflag:s2] =	dma.local @!p0 [hbm:s0], s1  }
0xe6: {  	s0 =	simm.s32 @!p0 $0x5  }
0xe7: {  	_ =	swait.ge @!p0 [sflag:s0], s1  }
0xe8: {  	s1 =	ssub.s32 @!p0 $0x0, s1;
	[sflag:s0] =	ssyncset.done @!p0 $0x0  }
0xe9: {  	[sflag:s0] =	ssyncadd.s32 @!p0 s1  }
0xea: {  	[bflag:$0x3] =	sbarrier.arrive $0xFFFF  }
0xeb: {  	_ =	shalt  }

// kernel: sparse-core-data-format-call.cloned.1.call-start
scs
called_computation_lowered:
.L_overlay_start_0:
0x0: {  	s2 =	sld [smem:$0x3FD9]  }
0x1: {  	s3 =	sld [smem:$0x3FFE];
	_ =	sdelay $0x1  }
0x2: {  	s1 =	srdreg.scid  }
0x3: {  	s0 =	sand.u32 $0x1, s1  }
0x4: {  	s18 =	sshll.u32 s0, $0xA;
	s2 =	sadd.s32 s3, s2  }
0x5: {  	s2 =	sadd.s32 s2, s18  }
0x6: {  	[smem:$0x3FC3] =	sst s2  }
0x7: {  	_ = 	snop  }
0x8: {  	s2 =	sld [smem:$0x3FD0];
	(tm) =	ssettm $0x1  }
0x9: {  	s19 =	sld [smem:$0x3FFB];
	_ =	sdelay $0x3  }
0xa: {  	_ =	strace s19  }
0xb: {  	s3 =	sld [smem:$0x3FFC];
	_ =	sdelay $0x3  }
0xc: {  	_ =	strace s3  }
0xd: {  	s3 =	sld [smem:$0x3FFD];
	_ =	sdelay $0x3  }
0xe: {  	_ =	strace s3  }
0xf: {  	_ =	strace $0x8FFFFFFF  }
0x10: {  	s20 =	sld [smem:$0x3FDB];
	_ =	sdelay $0x1  }
0x11: {  	s4 =	simm.s32 $_scs_section_size  }
0x12: {  	s5 =	simm.s32 $_size__tile_overlayer_lowered;
	s6 =	simm.s32 $_tile_overlayer_lowered  }
0x13: {  	s23 =	simm.s32 $0x1BFF;
	s22 =	sshll.u32 s6, $0x1;
	s3 =	sadd.s32 s4, s20  }
0x14: {  	s7 =	simm.s32 $0x0;
	s21 =	sshll.u32 s5, $0x1;
	s5 =	sadd.s32 s22, s3  }
0x15: {  	[timem:s7], [sflag:s23] =	dma.local [hbm:s5], s21  }
0x16: {  	_ =	swait.ge [sflag:s23], s21  }
0x17: {  	s4 =	ssub.s32 $0x0, s21;
	[sflag:s23] =	ssyncset.done $0x0  }
0x18: {  	[sflag:s23] =	ssyncadd.s32 s4;
	_ =	sdelay $0x1  }
0x19: {  	s24 =	simm.s32 $0x1B8B  }
0x1a: {  	_ =	swait.ge [sflag:s24], $0x1  }
0x1b: {  	[sflag:s24] =	ssyncset.done $0x0  }
0x1c: {  	s26 =	simm.s32 $0x1B8E;
	s25 =	sld [smem:$0x3FFE];
	[sflag:s24] =	ssyncadd.s32 $0xFFFFFFFF  }
0x1d: {  	s27 =	simm.s32 $execute0_lowered;
	[smem:$0x3FD2] =	sst s26  }
0x1e: {  	s5 =	sshll.u32 s27, $0x1;
	_ =	strace $0x8000004C;
	[dreg:$0x1] =	wrdreg $0xFFFFFFFF  }
0x1f: {  	s28 =	simm.s32 $_size_execute0_lowered;
	s3 =	sadd.s32 s3, s5;
	[dreg:$0x0] =	wrdreg $0x0  }
0x20: {  	s5 =	sshll.u32 s28, $0x1;
	[dreg:$0x2] =	wrdreg s3  }
0x21: {  	[dreg:$0x3] =	wrdreg s5  }
0x22: {  	[dreg:$0x4] =	wrdreg $0xC0  }
0x23: {  	_ =	task [dreg:s7], $0x5FFFF  }
0x24: {  	[dreg:$0x1] =	wrdreg $0xFFFFFFFF  }
0x25: {  	[dreg:$0x0] =	wrdreg $0x60  }
0x26: {  	[dreg:$0x2] =	wrdreg s25  }
0x27: {  	[dreg:$0x3] =	wrdreg s2  }
0x28: {  	[dreg:$0x4] =	wrdreg $0x9  }
0x29: {  	_ =	task.clear_ibuf [dreg:s7], $0x5FFFF;
	_ =	strace $0x9000004C  }
0x2a: {  	s29 =	simm.s32 $0x9;
	_ =	strace $0x8000004E  }
0x2b: {  	_ =	swait.ge [sflag:s29], $0x1  }
0x2c: {  	[sflag:s29] =	ssyncadd.s32 $0xFFFFFFFF  }
0x2d: {  	_ =	strace $0x9000004E  }
0x2e: {  	_ =	sfence  }
0x2f: {  	s30 =	sld [smem:$0x0];
	_ =	sdelay $0x2  }
0x30: {  	s31 =	sshll.u32 s1, $0xD;
	s1 =	sshrl.u32 s1, $0x2  }
0x31: {  	s3 =	sand.u32 $0x4000, s31;
	s1 =	sadd.s32 s1, s30  }
0x32: {  	s0 =	sor.u32 s3, s0;
	s1 =	sshll.u32 s1, $0x11  }
0x33: {  	s0 =	sor.u32 s1, s0  }
0x34: {  	s0 =	sadd.s32 $0x8F2B, s0  }
0x35: {  	[sflag:s0] =	ssyncadd.remote.s32 $0x1  }
0x36: {  	_ =	sfence.sel $0xFFFF  }
0x37: {  	[dreg:$0x0] =	wrdreg $0xFFFFFFFF;
	(pc) =	sbr.abs _section_cstart, $3  }
0x38: {  	[dreg:$0x1] =	wrdreg $0xFFFFFFFF  }
0x39: {  	_ =	task.clear_ibuf [dreg:s7], $0x2FFFF;
	_ =	strace $0x9FFFFFFF  }
0x3a: {  	(tm) =	ssettm $0x7FFFFFFF  }
0x3b: {  	_ =	shalt  }
tec
execute0_lowered:
.L_overlay_start_1:
0x0: {  	(tag) =	ssettag $0x1  }
0x1: {  	s0 =	srdreg.scid  }
0x2: {  	s1 =	sshll.u32 s0, $0x4  }
0x3: {  	s4 =	rddreg [dreg:$0x0];
	s0 =	stileid.u32;
	s1 =	sand.u32 $0x10, s1  }
0x4: {  	s2 =	rddreg [dreg:$0x1];
	s7 =	simm.s32 $0x1;
	s1 =	sor.u32 s0, s1  }
0x5: {  	s8 =	simm.s32 $0x2;
	s11 =	simm.s32 $0x0;
	s3 =	sshll.u32 s1, $0x7  }
0x6: {  	s10 =	simm.s32 $0x0;
	s4 =	sadd.s32 $0xC00, s4;
	s6 =	ssub.s32 $0x68000, s3  }
.Ltmp0:
0x7: {  	s1 =	rddreg [dreg:$0x2];
	s5 =	sand.u32 $0xF80, s6;
	(pc) =	sbr.rel .LBB1_1-.Ltmp0, $4  }
0x8: {  	_ =	strace $0x8000004D;
	s9 =	smov.u32 s3;
	p0 =	sne.s32 s5, $0x0  }
0x9: {  	s6 =	sshrl.u32 s6, $0xC;
	s5 =	simm.s32 $0x1;
	s7 =	simm.s32 @!p0 $0x0  }
0xa: {  	[sflag:s5] =	ssyncpa.u1 $0x0;
	p0 =	por $0x0, $0x0;
	s6 =	sadd.s32 s7, s6  }
0xb: {  	[sflag:s8] =	ssyncpa.u1 $0x0;
	s8 =	simm.s32 $0x340000;
	s7 =	sadd.s32 $0x1, s6  }
.LBB1_4:
0xc: {  	s14 =	sshll.u32 s11, $0x3  }
0xd: {  	s30 =	sand.u32 $0x7F, s11;
	s15 =	sand.u32 $0xFFFFFC00, s14  }
0xe: {  	s11 =	sor.u32 s30, s15  }
0xf: {  	s15 =	smulhi.u32 $0x4EC4EC4F, s11  }
0x10: {  	s14 =	smulhi.u32 $0x4EC4EC4F, s14  }
0x11: {  	s15 =	sshrl.u32 s15, $0x11  }
0x12: {  	s14 =	sshrl.u32 s14, $0x11;
	s15 =	smul.u32 $0x68000, s15  }
0x13: {  	s14 =	sand.u32 $0x1F, s14  }
0x14: {  	s14 =	smul.u32 $0xD000, s14;
	s11 =	ssub.s32 s11, s15  }
0x15: {  	s15 =	sand.u32 $0x7, s11  }
0x16: {  	s14 =	sadd.s32 s2, s14;
	s11 =	sshrl.u32 s11, $0x3;
	s15 =	sshll.u32 s15, $0x12  }
0x17: {  	[tilespmem:s13+$0x0 ss:$0x81] =	vst.msk $0xffff, v0;
	s11 =	sadd.s32 s11, s14;
	s31 =	sor.u32 $0x400, s15  }
0x18: {  	[hbm4b:s11+s31] =	stream.strided.scatter [tilespmem:s12], [sflag:$0x2], $0x1000, s8, s31, $0x20;
	[tilespmem:$0x4040] =	vst v63  }
.LBB1_5:
0x19: {  	s13 =	sadd.s32 $0x1000, s9  }
0x1a: {  	p2 =	sgt.s32 s13, $0x67FFF  }
0x1b: {  	s13 =	smov.u32 @p2 s3;
	p2 =	sne.s32 s10, s7  }
.Ltmp1:
0x1c: {  	p1 =	slt.u32 s10, $0x2;
	(pc) =	sbr.rel @!p2 .LBB1_6-.Ltmp1, $4  }
0x1d: {  	s12 =	simm.s32 @!p1 $0x2  }
0x1e: {  	s14 =	sadd.s32 $0x1, s10;
	_ =	swait.ge @!p1 [sflag:s12], $0x1000  }
0x1f: {  	s11 =	smov.u32 s9;
	p0 =	por !p0, !p0;
	[sflag:s12] =	ssyncset.done @!p1 $0x0  }
0x20: {  	s10 =	smov.u32 s14;
	s9 =	smov.u32 s13;
	[sflag:s12] =	ssyncadd.s32 @!p1 $0xFFFFF000  }
.LBB1_1:
0x21: {  	p1 =	sge.u32 s10, s6  }
0x22: {  	s12 =	sand.u32 @!p1 $0x1FFFFFF, s9  }
0x23: {  	s13 =	smulhi.u32 @!p1 $0x2762763, s12;
	_ =	sdelay $0x1  }
0x24: {  	s13 =	sshrl.u32 @!p1 s13, $0xC  }
0x25: {  	s13 =	smul.u32 @!p1 $0x68000, s13;
	_ =	sdelay $0x1  }
0x26: {  	s31 =	sadd.s32 $0xFFFFFFFF, s10;
	s14 =	sxor.u32 @!p1 $0xFFFFFFFF, s10;
	s12 =	ssub.s32 @!p1 s12, s13  }
0x27: {  	s15 =	simm.s32 @!p1 $0x80;
	s14 =	sshll.u32 @!p1 s14, $0xC;
	s12 =	sshll.u32 @!p1 s12, $0x4  }
0x28: {  	s13 =	sand.u32 @!p1 $0x1000, s14;
	s14 =	simm.s32 @!p1 $0x20;
	s12 =	sadd.s32 @!p1 s4, s12  }
0x29: {  	[tilespmem:s13], [sflag:$0x1] =	stream.strided.gather @!p1 [hbm4b:s12+s14], $0x1000, s15, s14, $0x38;
	[tilespmem:$0x4040] =	vst v63  }
0x2a: {  	p1 =	sge.u32 s31, s6  }
.Ltmp2:
0x2b: {  	_ = 	snop;
	(pc) =	sbr.rel @p1 .LBB1_5-.Ltmp2, $1  }
0x2c: {  	_ =	sdelay $0x3  }
0x2d: {  	s12 =	simm.s32 $0x1  }
0x2e: {  	_ =	swait.ge [sflag:s5], $0x1000;
	s12 =	simm.s32 @!p0 $0x0  }
0x2f: {  	[sflag:s5] =	ssyncset.done $0x0;
	s13 =	sshll.u32 s12, $0xC  }
0x30: {  	[sflag:s5] =	ssyncadd.s32 $0xFFFFF000;
	s16 =	sor.u32 $0x10, s13  }
0x31: {  	s12 =	smul.u32 $0x4080, s12;
	v1 =	vld [tilespmem:s16+$0x0]  }
0x32: {  	s30 =	sand.u32 $0x1, s10;
	v0 =	vld [tilespmem:s16+$0xFFFFFFF0]  }
0x33: {  	s13 =	smul.u32 $0x4080, s30;
	s12 =	sshrl.u32 s12, $0x2  }
0x34: {  	s14 =	sor.u32 $0x2000, s12  }
0x35: {  	s31 =	sshrl.u32 s13, $0x2;
	s13 =	sadd.s32 $0x0, s14  }
0x36: {  	s15 =	simm.s32 $0x4;
	s16 =	sadd.s32 $0x20, s16;
	s12 =	sor.u32 $0x2000, s31;
	[tilespmem:s13+$0x810 ss:$0x81] =	vst.msk $0xffff, v1  }
.LBB1_3:
0x37: {  	v1 =	vld [tilespmem:s16+$0x0];
	p1 =	sne.s32 s15, $0x1FC;
	[tilespmem:s13+$0x0 ss:$0x81] =	vst.msk $0xffff, v0;
	s13 =	smov.u32 s15;
	s15 =	sadd.s32 $0x4, s15  }
.Ltmp3:
0x38: {  	v0 =	vld [tilespmem:s16+$0xFFFFFFF0];
	(pc) =	sbr.rel @p1 .LBB1_3-.Ltmp3, $4  }
0x39: {  	_ = 	snop  }
0x3a: {  	s13 =	sshra.s32 s13, $0x2  }
0x3b: {  	s13 =	sadd.s32 s13, s14  }
0x3c: {  	s16 =	sadd.s32 $0x20, s16;
	[tilespmem:s13+$0x810 ss:$0x81] =	vst.msk $0xffff, v1  }
.Ltmp4:
0x3d: {  	_ = 	snop;
	(pc) =	sbr.rel .LBB1_4-.Ltmp4, $1  }
0x3e: {  	_ =	sdelay $0x3  }
.LBB1_6:
0x3f: {  	_ =	sfence.sel $0x180000  }
0x40: {  	s2 =	simm.s32 $0x1;
	[bflag:$0x0] =	sbarrier.arrive $0xFFFF  }
0x41: {  	s31 =	simm.s32 $0x2;
	[sflag:s2] =	ssyncpa.u1 $0x1  }
0x42: {  	[sflag:s31] =	ssyncpa.u1 $0x1  }
0x43: {  	p0 =	sne.s32 s0, $0x0;
	_ =	strace $0x9000004D  }
0x44: {  	s0 =	sadd.s32 @!p0 $0x100000, s1;
	[bflag:$0x2] =	sbarrier.arrive $0xFFFF  }
0x45: {  	[sflag:s0] =	ssyncadd.tile.s32 @!p0 $0x1;
	_ =	shalt  }
.Lfunc_end1:
_tile_overlayer_lowered:
.L_overlay_start_2:
0x46: {  	(tag) =	ssettag $0x2  }
0x47: {  	s0 =	rddreg [dreg:$0x0];
	s2 =	stileid.u32  }
0x48: {  	s1 =	rddreg [dreg:$0x1];
	p0 =	sne.s32 s2, $0x0  }
0x49: {  	s3 =	rddreg [dreg:$0x2];
	[bflag:$0x3] =	sbarrier.arrive $0xFFFF;
	s2 =	simm.s32 @!p0 $0x1C01  }
0x4a: {  	[timem:s3], [sflag:s2] =	dma.local @!p0 [hbm:s0], s1  }
0x4b: {  	s0 =	simm.s32 @!p0 $0x1  }
0x4c: {  	_ =	swait.ge @!p0 [sflag:s0], s1  }
0x4d: {  	s1 =	ssub.s32 @!p0 $0x0, s1;
	[sflag:s0] =	ssyncset.done @!p0 $0x0  }
0x4e: {  	[sflag:s0] =	ssyncadd.s32 @!p0 s1  }
0x4f: {  	[bflag:$0x3] =	sbarrier.arrive $0xFFFF  }
0x50: {  	_ =	shalt  }

</sc_bundles>
